<compile_context>
chip_gen: v7x
topology: tpu7x:2x2x1
jax: 0.10.2.dev20260603
libtpu: 0.0.44.dev20260713+nightly
codegen_flags: <defaults>
</compile_context>

<pallas_src>
import functools

import numpy as np
import jax
import jax.numpy as jnp
from jax import lax
from jax.experimental import pallas as pl
from jax.experimental.pallas import tpu as pltpu
from jax.experimental.pallas import tpu_sc as plsc

_DIM = 33
_D2 = _DIM * _DIM
_D3 = _DIM * _D2
_FEAT_T = 16 * 17 * 17 * 15 + 16 * 17 * 15 + 16 * 15 + 1
_P = 512 * 512
_NW = 32
_LANES = 16

_col = np.arange(300)
_n_of = (_col % 60) // 3
_c_of = (_col % 60) % 3
_s_of = _col // 60
_E_NP = (np.arange(20)[:, None] == _n_of[None, :]).astype(np.float32)
_row = np.arange(15)
_MASK_NP = ((_s_of[None, :] == (_row % 5)[:, None])
            & (_c_of[None, :] == (_row // 5)[:, None])).astype(np.float32)


def _sc_mesh():
    return plsc.VectorSubcoreMesh(core_axis_name="c", subcore_axis_name="s")


_IDX_N = 2 * _P
_PER_W1 = _IDX_N // _NW
_CH1 = 128
_NCH1 = _PER_W1 // _CH1


def _feat_sum_body(tab_hbm, idx_hbm, out_hbm, idx_v, rows_v, acc_v, sem):
    wid = lax.axis_index("s") * 2 + lax.axis_index("c")
    base = wid * _PER_W1
    zero = jnp.zeros((_LANES,), jnp.float32)

    def chunk(ci, carry):
        a0, a1 = carry
        pltpu.sync_copy(idx_hbm.at[pl.ds(base + ci * _CH1, _CH1)], idx_v)
        pltpu.async_copy(tab_hbm.at[idx_v], rows_v, sem).wait()

        def row(i, cc):
            c0, c1 = cc
            return (c0 + rows_v[i, pl.ds(0, 16)],
                    c1 + rows_v[i, pl.ds(16, 16)])

        c0, c1 = lax.fori_loop(0, _CH1, row, (zero, zero))
        return (a0 + c0, a1 + c1)

    a0, a1 = lax.fori_loop(0, _NCH1, chunk, (zero, zero))
    acc_v[pl.ds(0, 16)] = a0
    acc_v[pl.ds(16, 16)] = a1
    pltpu.sync_copy(acc_v, out_hbm.at[wid])


def _feat_sum(tab, idx_all):
    k = pl.kernel(
        _feat_sum_body,
        mesh=_sc_mesh(),
        compiler_params=pltpu.CompilerParams(use_tc_tiling_on_sc=False),
        out_type=jax.ShapeDtypeStruct((_NW, 32), jnp.float32),
        scratch_types=[
            pltpu.VMEM((_CH1,), jnp.int32),
            pltpu.VMEM((_CH1, 32), jnp.float32),
            pltpu.VMEM((32,), jnp.float32),
            pltpu.SemaphoreType.DMA,
        ],
    )
    return k(tab, idx_all)


def _recon_body(w_ref, e_ref, m_ref, luts_ref, wl_ref, sl_ref, o_ref):
    wb = jnp.dot(w_ref[...], e_ref[...], preferred_element_type=jnp.float32)
    w2 = m_ref[...] * wb
    b1 = jnp.dot(w2, luts_ref[...], preferred_element_type=jnp.float32)
    b2 = jnp.dot(b1, wl_ref[...], preferred_element_type=jnp.float32)
    sl = sl_ref[...]
    o_ref[...] = jnp.concatenate(
        [jnp.dot(sl, b2[0:5], preferred_element_type=jnp.float32),
         jnp.dot(sl, b2[5:10], preferred_element_type=jnp.float32),
         jnp.dot(sl, b2[10:15], preferred_element_type=jnp.float32)],
        axis=0)


def _recon(w, e, m, luts, w_layers, s_layers):
    return pl.pallas_call(
        _recon_body,
        out_shape=jax.ShapeDtypeStruct((3 * _DIM, _D2), jnp.float32),
    )(w, e, m, luts, w_layers, s_layers)


_PER_W3 = _P // _NW
_CH3 = 512
_NCH3 = _PER_W3 // _CH3
_NV3 = _CH3 // _LANES
_BINSIZE = np.float32(1.000001 / (_DIM - 1))


def _tri_body(lut_hbm, r_hbm, g_hbm, b_hbm, out_hbm,
              lut_v, rch, gch, bch, och, sem):
    wid = lax.axis_index("s") * 2 + lax.axis_index("c")
    base = wid * _PER_W3
    pltpu.sync_copy(lut_hbm, lut_v)
    maxid = jnp.full((_LANES,), _DIM - 2, jnp.int32)
    zeroi = jnp.zeros((_LANES,), jnp.int32)
    one = jnp.float32(1.0)

    def chunk(ci, _):
        off = base + ci * _CH3
        pltpu.sync_copy(r_hbm.at[pl.ds(off, _CH3)], rch)
        pltpu.sync_copy(g_hbm.at[pl.ds(off, _CH3)], gch)
        pltpu.sync_copy(b_hbm.at[pl.ds(off, _CH3)], bch)

        def vec(j, __):
            rv = rch[pl.ds(j * 16, 16)]
            gv = gch[pl.ds(j * 16, 16)]
            bv = bch[pl.ds(j * 16, 16)]
            rs = rv / _BINSIZE
            gs = gv / _BINSIZE
            bs = bv / _BINSIZE
            ri = jnp.minimum(jnp.maximum(rs.astype(jnp.int32), zeroi), maxid)
            gi = jnp.minimum(jnp.maximum(gs.astype(jnp.int32), zeroi), maxid)
            bi = jnp.minimum(jnp.maximum(bs.astype(jnp.int32), zeroi), maxid)
            rd = rs - ri.astype(jnp.float32)
            gd = gs - gi.astype(jnp.float32)
            bd = bs - bi.astype(jnp.float32)
            omr = one - rd
            omg = one - gd
            omb = one - bd
            a0 = jnp.zeros((_LANES,), jnp.float32)
            a1 = jnp.zeros((_LANES,), jnp.float32)
            a2 = jnp.zeros((_LANES,), jnp.float32)
            for db in (0, 1):
                wb_ = bd if db else omb
                bq = (bi + db) * _D2
                b33 = (bi + db) * 33
                for dg in (0, 1):
                    wg_ = (gd if dg else omg) * wb_
                    gq = (gi + dg) * _D2
                    g33 = (gi + dg) * 33
                    for dr in (0, 1):
                        w_ = (rd if dr else omr) * wg_
                        rr = ri + dr
                        i0 = bq + g33 + rr
                        i1 = _D3 + gq + b33 + rr
                        i2 = 2 * _D3 + rr * _D2 + b33 + (gi + dg)
                        a0 = a0 + w_ * plsc.load_gather(lut_v, [i0])
                        a1 = a1 + w_ * plsc.load_gather(lut_v, [i1])
                        a2 = a2 + w_ * plsc.load_gather(lut_v, [i2])
            och[pl.ds(j * 16, 16)] = a0 + rv
            och[pl.ds(_CH3 + j * 16, 16)] = a1 + gv
            och[pl.ds(2 * _CH3 + j * 16, 16)] = a2 + bv
            return 0

        lax.fori_loop(0, _NV3, vec, 0)
        pltpu.sync_copy(och.at[pl.ds(0, _CH3)],
                        out_hbm.at[pl.ds(off, _CH3)])
        pltpu.sync_copy(och.at[pl.ds(_CH3, _CH3)],
                        out_hbm.at[pl.ds(_P + off, _CH3)])
        pltpu.sync_copy(och.at[pl.ds(2 * _CH3, _CH3)],
                        out_hbm.at[pl.ds(2 * _P + off, _CH3)])
        return 0

    lax.fori_loop(0, _NCH3, chunk, 0)


def _trilinear(lut_flat, r, g, b):
    k = pl.kernel(
        _tri_body,
        mesh=_sc_mesh(),
        compiler_params=pltpu.CompilerParams(needs_layout_passes=False),
        out_type=jax.ShapeDtypeStruct((3 * _P,), jnp.float32),
        scratch_types=[
            pltpu.VMEM((3 * _D3,), jnp.float32),
            pltpu.VMEM((_CH3,), jnp.float32),
            pltpu.VMEM((_CH3,), jnp.float32),
            pltpu.VMEM((_CH3,), jnp.float32),
            pltpu.VMEM((3 * _CH3,), jnp.float32),
            pltpu.SemaphoreType.DMA,
        ],
    )
    return k(lut_flat, r, g, b)


@jax.jit
def _run(img_msb, img_lsb, img_org, feature_msb, feature_lsb, lut_cat,
         s_layers, w_layers, luts):
    wvec = jnp.array([16 * 17 * 17, 16 * 17, 16], jnp.float32).reshape(1, 3, 1, 1)
    idx_m = jnp.sum(img_msb.astype(jnp.float32) * wvec, axis=1
                    ).reshape(-1).astype(jnp.int32)
    idx_l = jnp.sum(img_lsb.astype(jnp.float32) * wvec, axis=1
                    ).reshape(-1).astype(jnp.int32) + _FEAT_T
    idx_all = jnp.concatenate([idx_m, idx_l])
    tab = jnp.pad(jnp.concatenate([feature_msb, feature_lsb], axis=0),
                  ((0, 0), (0, 12)))
    sums = _feat_sum(tab, idx_all)

    mid = jnp.sum(sums, axis=0)[:20] / np.float32(_P)
    mid = jnp.clip(jnp.round(mid * 4.0) / 4.0, -32.0, 31.75)
    midq = ((mid * 4.0).astype(jnp.int32) + 128).reshape(10, 2)
    index = midq[:, 0] * 256 + midq[:, 1]
    weights = jnp.sum(lut_cat[jnp.arange(10), index], axis=0).reshape(1, 20)

    comb = _recon(weights, jnp.asarray(_E_NP), jnp.asarray(_MASK_NP),
                  luts, w_layers, s_layers)
    comb3 = comb.reshape(3, _DIM, _DIM, _DIM)
    d3lut = jnp.stack([comb3[0],
                       comb3[1].transpose(1, 0, 2),
                       comb3[2].transpose(1, 2, 0)])[None]

    x = img_org.reshape(3, _P)
    res = _trilinear(comb.reshape(-1), x[0], x[1], x[2])
    return res.reshape(1, 3, 512, 512), d3lut


def kernel(img_msb, img_lsb, img_org, feature_msb, feature_lsb, lut_cat,
           s_layers, w_layers, luts):
    return _run(img_msb, img_lsb, img_org, feature_msb, feature_lsb,
                lut_cat, s_layers, w_layers, luts)

# --- scband reference (transcript-rebuilt; emitter-appended) ---
"""Pipeline reference for scband-icelut-57123065037165 (READ-ONLY COPY).

The authoritative reference and input builder live on the scoring server;
editing this copy changes nothing except your own understanding.
"""

import jax, jax.numpy as jnp
import numpy as np

DIM = 33
NUM = 20
S = 5
WD = 10
B, H, W = 1, 512, 512
FEAT_T = 16 * 17 * 17 * 15 + 16 * 17 * 15 + 16 * 15 + 1


def setup_inputs(seed: int = 0):
    key = jax.random.key(seed)
    ks = jax.random.split(key, 9)
    img_msb = jax.random.randint(ks[0], (B, 3, H, W), 0, 16, dtype=jnp.int32)
    img_lsb = jax.random.randint(ks[1], (B, 3, H, W), 0, 16, dtype=jnp.int32)
    img_org = jax.random.uniform(ks[2], (B, 3, H, W), dtype=jnp.float32)
    feature_msb = jax.random.randint(ks[3], (FEAT_T, 20), -128, 128, dtype=jnp.int32).astype(jnp.float32)
    feature_lsb = jax.random.randint(ks[4], (FEAT_T, 20), -128, 128, dtype=jnp.int32).astype(jnp.float32)
    lut_cat = jax.random.randint(ks[5], (10, 65536, 20), -128, 128, dtype=jnp.int32).astype(jnp.float32) / 4.0
    s_layers = jax.random.uniform(ks[6], (DIM, S), dtype=jnp.float32) / 5.0 - 0.1
    w_layers = jax.random.uniform(ks[7], (WD, DIM * DIM), dtype=jnp.float32) / 5.0 - 0.1
    luts = jax.random.normal(ks[8], (S * NUM * 3, WD), dtype=jnp.float32) * 0.01
    return {'img_msb': img_msb, 'img_lsb': img_lsb, 'img_org': img_org, 'feature_msb': feature_msb, 'feature_lsb': feature_lsb, 'lut_cat': lut_cat, 's_layers': s_layers, 'w_layers': w_layers, 'luts': luts}


def cube_to_lut(cube):
    c0 = cube[:, 0]
    c1 = jnp.transpose(cube[:, 1], (0, 2, 1, 3))
    c2 = jnp.transpose(cube[:, 2], (0, 2, 3, 1))
    return jnp.stack([c0, c1, c2], axis=1)


def feat_lut(x_in, x_s, feature_msb, feature_lsb):
    _, _, h, w = x_in.shape
    wvec = jnp.array([16 * 17 * 17, 16 * 17, 16], dtype=jnp.float32).reshape(1, 3, 1, 1)
    idx_msb = jnp.sum(x_in.astype(jnp.float32) * wvec, axis=1).reshape(-1).astype(jnp.int32)
    idx_lsb = jnp.sum(x_s.astype(jnp.float32) * wvec, axis=1).reshape(-1).astype(jnp.int32)
    out_msb = jnp.take(feature_msb, idx_msb, axis=0).reshape(1, h, w, -1).transpose(0, 3, 1, 2)
    out_lsb = jnp.take(feature_lsb, idx_lsb, axis=0).reshape(1, h, w, -1).transpose(0, 3, 1, 2)
    out = out_msb + out_lsb
    out = jnp.mean(out, axis=(2, 3), keepdims=True)
    out = jnp.clip(jnp.round(out * 4.0) / 4.0, -32.0, 31.75)
    return out


def reconstruct_luts(s_layers, w_layers, luts):
    t = (luts @ w_layers).reshape(-1, NUM * 3 * DIM * DIM)
    cubes = (s_layers @ t).reshape(DIM, NUM * 3, DIM * DIM)
    cubes = jnp.transpose(cubes, (1, 0, 2)).reshape(NUM, 3, DIM, DIM, DIM)
    return cube_to_lut(cubes)


def trilinear_interp(lut, x):
    d = lut.shape[-1]
    binsize = 1.000001 / (d - 1)
    lutf = lut.reshape(3, d * d * d)
    r, g, b = x[:, 0], x[:, 1], x[:, 2]
    rid = jnp.clip(jnp.floor(r / binsize), 0, d - 2).astype(jnp.int32)
    gid = jnp.clip(jnp.floor(g / binsize), 0, d - 2).astype(jnp.int32)
    bid = jnp.clip(jnp.floor(b / binsize), 0, d - 2).astype(jnp.int32)
    rd = r / binsize - rid.astype(x.dtype)
    gd = g / binsize - gid.astype(x.dtype)
    bd = b / binsize - bid.astype(x.dtype)
    out = jnp.zeros((3,) + r.shape, dtype=x.dtype)
    for db in (0, 1):
        for dg in (0, 1):
            for dr in (0, 1):
                wgt = (rd if dr else 1.0 - rd) * (gd if dg else 1.0 - gd) * (bd if db else 1.0 - bd)
                idx = (bid + db) * d * d + (gid + dg) * d + (rid + dr)
                out = out + wgt[None] * jnp.take(lutf, idx, axis=1)
    return jnp.transpose(out, (1, 0, 2, 3))


def reference(img_msb, img_lsb, img_org, feature_msb, feature_lsb, lut_cat, s_layers, w_layers, luts):
    mid = feat_lut(img_msb, img_lsb, feature_msb, feature_lsb)
    mid = ((mid * 4.0).astype(jnp.int32) + 128).reshape(10, 2)
    index = mid[:, 0] * 256 + mid[:, 1]
    output = lut_cat[jnp.arange(10), index]
    weights = jnp.sum(output, axis=0)[None, :]
    d3luts = reconstruct_luts(s_layers, w_layers, luts)
    d3lut = (weights @ d3luts.reshape(NUM, -1)).reshape(-1, 3, DIM, DIM, DIM)
    img_res = trilinear_interp(d3lut[0], img_org)
    return (img_res + img_org, d3lut)

if __name__ == "__main__":
    import jax
    _d = setup_inputs()
    print(jax.jit(kernel)(*tuple(_d.values())))

</pallas_src>

<mosaic_0001>
#map = affine_map<(d0, d1) -> (0)>
module attributes {stable_mosaic.version = 14 : i64} {
  func.func @_tri_body(%arg0: i32, %arg1: i32, %arg2: memref<107811xf32, #tpu.memory_space<hbm>>, %arg3: memref<262144xf32, #tpu.memory_space<hbm>>, %arg4: memref<262144xf32, #tpu.memory_space<hbm>>, %arg5: memref<262144xf32, #tpu.memory_space<hbm>>, %arg6: memref<786432xf32, #tpu.memory_space<hbm>>, %arg7: memref<107811xf32, #tpu.memory_space<vmem>>, %arg8: memref<512xf32, #tpu.memory_space<vmem>>, %arg9: memref<512xf32, #tpu.memory_space<vmem>>, %arg10: memref<512xf32, #tpu.memory_space<vmem>>, %arg11: memref<1536xf32, #tpu.memory_space<vmem>>, %arg12: memref<!tpu.dma_semaphore, #tpu.memory_space<semaphore_mem>>) attributes {dimension_semantics = [#tpu.dimension_semantics<core_parallel>, #tpu.dimension_semantics<subcore_parallel>], iteration_bounds = array<i64: 2, 16>, scalar_prefetch = 0 : i64, scratch_operands = 6 : i64, tpu.core_type = #tpu.core_type<sc_vector_subcore>, window_params = [{transform_indices = #map}, {transform_indices = #map}, {transform_indices = #map}, {transform_indices = #map}, {transform_indices = #map}]} {
    %mul3A = arith.constant 2 : i32
    %mul3A_0 = arith.muli %arg1, %mul3A : i32
    %add3A = arith.addi %mul3A_0, %arg0 : i32
    %mul3A_1 = arith.constant 8192 : i32
    %mul3A_2 = arith.muli %add3A, %mul3A_1 : i32
    "tpu.region"() ({
      %run_scoped3A = tpu.sem_alloc : memref<!tpu.dma_semaphore, #tpu.memory_space<semaphore_mem>>
      tpu.enqueue_dma source(%arg2 : memref<107811xf32, #tpu.memory_space<hbm>>) target(%arg7 : memref<107811xf32, #tpu.memory_space<vmem>>) target_semaphore(%run_scoped3A : memref<!tpu.dma_semaphore, #tpu.memory_space<semaphore_mem>>)
      tpu.wait_dma2 semaphore(%run_scoped3A : memref<!tpu.dma_semaphore, #tpu.memory_space<semaphore_mem>>) src(%arg2 : memref<107811xf32, #tpu.memory_space<hbm>>) dst(%arg7 : memref<107811xf32, #tpu.memory_space<vmem>>)
      tpu.yield
    }) : () -> ()
    %broadcast_in_dim3A = arith.constant 31 : i32
    %broadcast_in_dim3A_3 = vector.broadcast %broadcast_in_dim3A : i32 to vector<16xi32>
    %broadcast_in_dim3A_4 = arith.constant 0 : i32
    %broadcast_in_dim3A_5 = vector.broadcast %broadcast_in_dim3A_4 : i32 to vector<16xi32>
    %scan3A = arith.constant 1.000000e+00 : f32
    %scan3A_6 = arith.constant 0 : i32
    %scan3A_7 = arith.constant 0 : i32
    %scan3A_8 = arith.constant 16 : i32
    %scan3A_9 = arith.addi %scan3A_7, %scan3A_8 : i32
    %scan3A_10 = arith.constant 1 : i32
    %scan3A_11 = scf.for %scan3A_13 = %scan3A_7 to %scan3A_9 step %scan3A_10 iter_args(%scan3A_14 = %scan3A_6) -> (i32)  : i32 {
      %mul3A_15 = arith.constant 512 : i32
      %mul3A_16 = arith.muli %scan3A_13, %mul3A_15 : i32
      %add3A_17 = arith.addi %mul3A_2, %mul3A_16 : i32
      "tpu.region"() ({
        %run_scoped3A = tpu.sem_alloc : memref<!tpu.dma_semaphore, #tpu.memory_space<semaphore_mem>>
        %dma_start3A = tpu.memref_slice %arg3[%add3A_17] : memref<262144xf32, #tpu.memory_space<hbm>> -> memref<512xf32, #tpu.memory_space<hbm>>
        %dma_start3A_30 = tpu.memref_slice %arg3[%add3A_17] : memref<262144xf32, #tpu.memory_space<hbm>> -> memref<512xf32, #tpu.memory_space<hbm>>
        tpu.enqueue_dma source(%dma_start3A_30 : memref<512xf32, #tpu.memory_space<hbm>>) target(%arg8 : memref<512xf32, #tpu.memory_space<vmem>>) target_semaphore(%run_scoped3A : memref<!tpu.dma_semaphore, #tpu.memory_space<semaphore_mem>>)
        %dma_wait3A = tpu.memref_slice %arg3[%add3A_17] : memref<262144xf32, #tpu.memory_space<hbm>> -> memref<512xf32, #tpu.memory_space<hbm>>
        %dma_wait3A_31 = tpu.memref_slice %arg3[%add3A_17] : memref<262144xf32, #tpu.memory_space<hbm>> -> memref<512xf32, #tpu.memory_space<hbm>>
        tpu.wait_dma2 semaphore(%run_scoped3A : memref<!tpu.dma_semaphore, #tpu.memory_space<semaphore_mem>>) src(%dma_wait3A_31 : memref<512xf32, #tpu.memory_space<hbm>>) dst(%arg8 : memref<512xf32, #tpu.memory_space<vmem>>)
        tpu.yield
      }) : () -> ()
      "tpu.region"() ({
        %run_scoped3A = tpu.sem_alloc : memref<!tpu.dma_semaphore, #tpu.memory_space<semaphore_mem>>
        %dma_start3A = tpu.memref_slice %arg4[%add3A_17] : memref<262144xf32, #tpu.memory_space<hbm>> -> memref<512xf32, #tpu.memory_space<hbm>>
        %dma_start3A_30 = tpu.memref_slice %arg4[%add3A_17] : memref<262144xf32, #tpu.memory_space<hbm>> -> memref<512xf32, #tpu.memory_space<hbm>>
        tpu.enqueue_dma source(%dma_start3A_30 : memref<512xf32, #tpu.memory_space<hbm>>) target(%arg9 : memref<512xf32, #tpu.memory_space<vmem>>) target_semaphore(%run_scoped3A : memref<!tpu.dma_semaphore, #tpu.memory_space<semaphore_mem>>)
        %dma_wait3A = tpu.memref_slice %arg4[%add3A_17] : memref<262144xf32, #tpu.memory_space<hbm>> -> memref<512xf32, #tpu.memory_space<hbm>>
        %dma_wait3A_31 = tpu.memref_slice %arg4[%add3A_17] : memref<262144xf32, #tpu.memory_space<hbm>> -> memref<512xf32, #tpu.memory_space<hbm>>
        tpu.wait_dma2 semaphore(%run_scoped3A : memref<!tpu.dma_semaphore, #tpu.memory_space<semaphore_mem>>) src(%dma_wait3A_31 : memref<512xf32, #tpu.memory_space<hbm>>) dst(%arg9 : memref<512xf32, #tpu.memory_space<vmem>>)
        tpu.yield
      }) : () -> ()
      "tpu.region"() ({
        %run_scoped3A = tpu.sem_alloc : memref<!tpu.dma_semaphore, #tpu.memory_space<semaphore_mem>>
        %dma_start3A = tpu.memref_slice %arg5[%add3A_17] : memref<262144xf32, #tpu.memory_space<hbm>> -> memref<512xf32, #tpu.memory_space<hbm>>
        %dma_start3A_30 = tpu.memref_slice %arg5[%add3A_17] : memref<262144xf32, #tpu.memory_space<hbm>> -> memref<512xf32, #tpu.memory_space<hbm>>
        tpu.enqueue_dma source(%dma_start3A_30 : memref<512xf32, #tpu.memory_space<hbm>>) target(%arg10 : memref<512xf32, #tpu.memory_space<vmem>>) target_semaphore(%run_scoped3A : memref<!tpu.dma_semaphore, #tpu.memory_space<semaphore_mem>>)
        %dma_wait3A = tpu.memref_slice %arg5[%add3A_17] : memref<262144xf32, #tpu.memory_space<hbm>> -> memref<512xf32, #tpu.memory_space<hbm>>
        %dma_wait3A_31 = tpu.memref_slice %arg5[%add3A_17] : memref<262144xf32, #tpu.memory_space<hbm>> -> memref<512xf32, #tpu.memory_space<hbm>>
        tpu.wait_dma2 semaphore(%run_scoped3A : memref<!tpu.dma_semaphore, #tpu.memory_space<semaphore_mem>>) src(%dma_wait3A_31 : memref<512xf32, #tpu.memory_space<hbm>>) dst(%arg10 : memref<512xf32, #tpu.memory_space<vmem>>)
        tpu.yield
      }) : () -> ()
      %scan3A_18 = arith.constant 0 : i32
      %scan3A_19 = arith.constant 0 : i32
      %scan3A_20 = arith.constant 32 : i32
      %scan3A_21 = arith.addi %scan3A_19, %scan3A_20 : i32
      %scan3A_22 = arith.constant 1 : i32
      %scan3A_23 = scf.for %scan3A_30 = %scan3A_19 to %scan3A_21 step %scan3A_22 iter_args(%scan3A_31 = %scan3A_18) -> (i32)  : i32 {
        %mul3A_32 = arith.constant 16 : i32
        %mul3A_33 = arith.muli %scan3A_30, %mul3A_32 : i32
        %get3A = arith.index_cast %mul3A_33 : i32 to index
        %get3A_34 = tpu.vector_load %arg8[%get3A] {strides = array<i32>} : memref<512xf32, #tpu.memory_space<vmem>>, vector<16xf32>,
        %mul3A_35 = arith.constant 16 : i32
        %mul3A_36 = arith.muli %scan3A_30, %mul3A_35 : i32
        %get3A_37 = arith.index_cast %mul3A_36 : i32 to index
        %get3A_38 = tpu.vector_load %arg9[%get3A_37] {strides = array<i32>} : memref<512xf32, #tpu.memory_space<vmem>>, vector<16xf32>,
        %mul3A_39 = arith.constant 16 : i32
        %mul3A_40 = arith.muli %scan3A_30, %mul3A_39 : i32
        %get3A_41 = arith.index_cast %mul3A_40 : i32 to index
        %get3A_42 = tpu.vector_load %arg10[%get3A_41] {strides = array<i32>} : memref<512xf32, #tpu.memory_space<vmem>>, vector<16xf32>,
        %div3A = arith.constant 0.0312500298 : f32
        %div3A_43 = vector.broadcast %div3A : f32 to vector<16xf32>
        %div3A_44 = arith.divf %get3A_34, %div3A_43 : vector<16xf32>
        %div3A_45 = arith.constant 0.0312500298 : f32
        %div3A_46 = vector.broadcast %div3A_45 : f32 to vector<16xf32>
        %div3A_47 = arith.divf %get3A_38, %div3A_46 : vector<16xf32>
        %div3A_48 = arith.constant 0.0312500298 : f32
        %div3A_49 = vector.broadcast %div3A_48 : f32 to vector<16xf32>
        %div3A_50 = arith.divf %get3A_42, %div3A_49 : vector<16xf32>
        %convert_element_type3A = arith.fptosi %div3A_44 : vector<16xf32> to vector<16xi32>
        %max3A = arith.maxsi %convert_element_type3A, %broadcast_in_dim3A_5 : vector<16xi32>
        %min3A = arith.minsi %max3A, %broadcast_in_dim3A_3 : vector<16xi32>
        %convert_element_type3A_51 = arith.fptosi %div3A_47 : vector<16xf32> to vector<16xi32>
        %max3A_52 = arith.maxsi %convert_element_type3A_51, %broadcast_in_dim3A_5 : vector<16xi32>
        %min3A_53 = arith.minsi %max3A_52, %broadcast_in_dim3A_3 : vector<16xi32>
        %convert_element_type3A_54 = arith.fptosi %div3A_50 : vector<16xf32> to vector<16xi32>
        %max3A_55 = arith.maxsi %convert_element_type3A_54, %broadcast_in_dim3A_5 : vector<16xi32>
        %min3A_56 = arith.minsi %max3A_55, %broadcast_in_dim3A_3 : vector<16xi32>
        %convert_element_type3A_57 = arith.sitofp %min3A : vector<16xi32> to vector<16xf32>
        %sub3A = arith.subf %div3A_44, %convert_element_type3A_57 : vector<16xf32>
        %convert_element_type3A_58 = arith.sitofp %min3A_53 : vector<16xi32> to vector<16xf32>
        %sub3A_59 = arith.subf %div3A_47, %convert_element_type3A_58 : vector<16xf32>
        %convert_element_type3A_60 = arith.sitofp %min3A_56 : vector<16xi32> to vector<16xf32>
        %sub3A_61 = arith.subf %div3A_50, %convert_element_type3A_60 : vector<16xf32>
        %sub3A_62 = vector.broadcast %scan3A : f32 to vector<16xf32>
        %sub3A_63 = arith.subf %sub3A_62, %sub3A : vector<16xf32>
        %sub3A_64 = vector.broadcast %scan3A : f32 to vector<16xf32>
        %sub3A_65 = arith.subf %sub3A_64, %sub3A_59 : vector<16xf32>
        %sub3A_66 = vector.broadcast %scan3A : f32 to vector<16xf32>
        %sub3A_67 = arith.subf %sub3A_66, %sub3A_61 : vector<16xf32>
        %broadcast_in_dim3A_68 = arith.constant 0.000000e+00 : f32
        %broadcast_in_dim3A_69 = vector.broadcast %broadcast_in_dim3A_68 : f32 to vector<16xf32>
        %broadcast_in_dim3A_70 = arith.constant 0.000000e+00 : f32
        %broadcast_in_dim3A_71 = vector.broadcast %broadcast_in_dim3A_70 : f32 to vector<16xf32>
        %broadcast_in_dim3A_72 = arith.constant 0.000000e+00 : f32
        %broadcast_in_dim3A_73 = vector.broadcast %broadcast_in_dim3A_72 : f32 to vector<16xf32>
        %add3A_74 = arith.constant 0 : i32
        %add3A_75 = vector.broadcast %add3A_74 : i32 to vector<16xi32>
        %add3A_76 = arith.addi %min3A_56, %add3A_75 : vector<16xi32>
        %mul3A_77 = arith.constant 1089 : i32
        %mul3A_78 = vector.broadcast %mul3A_77 : i32 to vector<16xi32>
        %mul3A_79 = arith.muli %add3A_76, %mul3A_78 : vector<16xi32>
        %add3A_80 = arith.constant 0 : i32
        %add3A_81 = vector.broadcast %add3A_80 : i32 to vector<16xi32>
        %add3A_82 = arith.addi %min3A_56, %add3A_81 : vector<16xi32>
        %mul3A_83 = arith.constant 33 : i32
        %mul3A_84 = vector.broadcast %mul3A_83 : i32 to vector<16xi32>
        %mul3A_85 = arith.muli %add3A_82, %mul3A_84 : vector<16xi32>
        %mul3A_86 = arith.mulf %sub3A_65, %sub3A_67 : vector<16xf32>
        %add3A_87 = arith.constant 0 : i32
        %add3A_88 = vector.broadcast %add3A_87 : i32 to vector<16xi32>
        %add3A_89 = arith.addi %min3A_53, %add3A_88 : vector<16xi32>
        %mul3A_90 = arith.constant 1089 : i32
        %mul3A_91 = vector.broadcast %mul3A_90 : i32 to vector<16xi32>
        %mul3A_92 = arith.muli %add3A_89, %mul3A_91 : vector<16xi32>
        %add3A_93 = arith.constant 0 : i32
        %add3A_94 = vector.broadcast %add3A_93 : i32 to vector<16xi32>
        %add3A_95 = arith.addi %min3A_53, %add3A_94 : vector<16xi32>
        %mul3A_96 = arith.constant 33 : i32
        %mul3A_97 = vector.broadcast %mul3A_96 : i32 to vector<16xi32>
        %mul3A_98 = arith.muli %add3A_95, %mul3A_97 : vector<16xi32>
        %mul3A_99 = arith.mulf %sub3A_63, %mul3A_86 : vector<16xf32>
        %add3A_100 = arith.constant 0 : i32
        %add3A_101 = vector.broadcast %add3A_100 : i32 to vector<16xi32>
        %add3A_102 = arith.addi %min3A, %add3A_101 : vector<16xi32>
        %add3A_103 = arith.addi %mul3A_79, %mul3A_98 : vector<16xi32>
        %add3A_104 = arith.addi %add3A_103, %add3A_102 : vector<16xi32>
        %add3A_105 = arith.constant 35937 : i32
        %add3A_106 = vector.broadcast %add3A_105 : i32 to vector<16xi32>
        %add3A_107 = arith.addi %add3A_106, %mul3A_92 : vector<16xi32>
        %add3A_108 = arith.addi %add3A_107, %mul3A_85 : vector<16xi32>
        %add3A_109 = arith.addi %add3A_108, %add3A_102 : vector<16xi32>
        %mul3A_110 = arith.constant 1089 : i32
        %mul3A_111 = vector.broadcast %mul3A_110 : i32 to vector<16xi32>
        %mul3A_112 = arith.muli %add3A_102, %mul3A_111 : vector<16xi32>
        %add3A_113 = arith.constant 71874 : i32
        %add3A_114 = vector.broadcast %add3A_113 : i32 to vector<16xi32>
        %add3A_115 = arith.addi %add3A_114, %mul3A_112 : vector<16xi32>
        %add3A_116 = arith.addi %add3A_115, %mul3A_85 : vector<16xi32>
        %add3A_117 = arith.constant 0 : i32
        %add3A_118 = vector.broadcast %add3A_117 : i32 to vector<16xi32>
        %add3A_119 = arith.addi %min3A_53, %add3A_118 : vector<16xi32>
        %add3A_120 = arith.addi %add3A_116, %add3A_119 : vector<16xi32>
        %gather3A = tpu.vector_load_idx %arg7[%add3A_104] : memref<107811xf32, #tpu.memory_space<vmem>>[vector<16xi32>], vector<16xf32>,
        %mul3A_121 = arith.mulf %mul3A_99, %gather3A : vector<16xf32>
        %add3A_122 = arith.addf %broadcast_in_dim3A_69, %mul3A_121 : vector<16xf32>
        %gather3A_123 = tpu.vector_load_idx %arg7[%add3A_109] : memref<107811xf32, #tpu.memory_space<vmem>>[vector<16xi32>], vector<16xf32>,
        %mul3A_124 = arith.mulf %mul3A_99, %gather3A_123 : vector<16xf32>
        %add3A_125 = arith.addf %broadcast_in_dim3A_71, %mul3A_124 : vector<16xf32>
        %gather3A_126 = tpu.vector_load_idx %arg7[%add3A_120] : memref<107811xf32, #tpu.memory_space<vmem>>[vector<16xi32>], vector<16xf32>,
        %mul3A_127 = arith.mulf %mul3A_99, %gather3A_126 : vector<16xf32>
        %add3A_128 = arith.addf %broadcast_in_dim3A_73, %mul3A_127 : vector<16xf32>
        %mul3A_129 = arith.mulf %sub3A, %mul3A_86 : vector<16xf32>
        %add3A_130 = arith.constant 1 : i32
        %add3A_131 = vector.broadcast %add3A_130 : i32 to vector<16xi32>
        %add3A_132 = arith.addi %min3A, %add3A_131 : vector<16xi32>
        %add3A_133 = arith.addi %mul3A_79, %mul3A_98 : vector<16xi32>
        %add3A_134 = arith.addi %add3A_133, %add3A_132 : vector<16xi32>
        %add3A_135 = arith.constant 35937 : i32
        %add3A_136 = vector.broadcast %add3A_135 : i32 to vector<16xi32>
        %add3A_137 = arith.addi %add3A_136, %mul3A_92 : vector<16xi32>
        %add3A_138 = arith.addi %add3A_137, %mul3A_85 : vector<16xi32>
        %add3A_139 = arith.addi %add3A_138, %add3A_132 : vector<16xi32>
        %mul3A_140 = arith.constant 1089 : i32
        %mul3A_141 = vector.broadcast %mul3A_140 : i32 to vector<16xi32>
        %mul3A_142 = arith.muli %add3A_132, %mul3A_141 : vector<16xi32>
        %add3A_143 = arith.constant 71874 : i32
        %add3A_144 = vector.broadcast %add3A_143 : i32 to vector<16xi32>
        %add3A_145 = arith.addi %add3A_144, %mul3A_142 : vector<16xi32>
        %add3A_146 = arith.addi %add3A_145, %mul3A_85 : vector<16xi32>
        %add3A_147 = arith.constant 0 : i32
        %add3A_148 = vector.broadcast %add3A_147 : i32 to vector<16xi32>
        %add3A_149 = arith.addi %min3A_53, %add3A_148 : vector<16xi32>
        %add3A_150 = arith.addi %add3A_146, %add3A_149 : vector<16xi32>
        %gather3A_151 = tpu.vector_load_idx %arg7[%add3A_134] : memref<107811xf32, #tpu.memory_space<vmem>>[vector<16xi32>], vector<16xf32>,
        %mul3A_152 = arith.mulf %mul3A_129, %gather3A_151 : vector<16xf32>
        %add3A_153 = arith.addf %add3A_122, %mul3A_152 : vector<16xf32>
        %gather3A_154 = tpu.vector_load_idx %arg7[%add3A_139] : memref<107811xf32, #tpu.memory_space<vmem>>[vector<16xi32>], vector<16xf32>,
        %mul3A_155 = arith.mulf %mul3A_129, %gather3A_154 : vector<16xf32>
        %add3A_156 = arith.addf %add3A_125, %mul3A_155 : vector<16xf32>
        %gather3A_157 = tpu.vector_load_idx %arg7[%add3A_150] : memref<107811xf32, #tpu.memory_space<vmem>>[vector<16xi32>], vector<16xf32>,
        %mul3A_158 = arith.mulf %mul3A_129, %gather3A_157 : vector<16xf32>
        %add3A_159 = arith.addf %add3A_128, %mul3A_158 : vector<16xf32>
        %mul3A_160 = arith.mulf %sub3A_59, %sub3A_67 : vector<16xf32>
        %add3A_161 = arith.constant 1 : i32
        %add3A_162 = vector.broadcast %add3A_161 : i32 to vector<16xi32>
        %add3A_163 = arith.addi %min3A_53, %add3A_162 : vector<16xi32>
        %mul3A_164 = arith.constant 1089 : i32
        %mul3A_165 = vector.broadcast %mul3A_164 : i32 to vector<16xi32>
        %mul3A_166 = arith.muli %add3A_163, %mul3A_165 : vector<16xi32>
        %add3A_167 = arith.constant 1 : i32
        %add3A_168 = vector.broadcast %add3A_167 : i32 to vector<16xi32>
        %add3A_169 = arith.addi %min3A_53, %add3A_168 : vector<16xi32>
        %mul3A_170 = arith.constant 33 : i32
        %mul3A_171 = vector.broadcast %mul3A_170 : i32 to vector<16xi32>
        %mul3A_172 = arith.muli %add3A_169, %mul3A_171 : vector<16xi32>
        %mul3A_173 = arith.mulf %sub3A_63, %mul3A_160 : vector<16xf32>
        %add3A_174 = arith.constant 0 : i32
        %add3A_175 = vector.broadcast %add3A_174 : i32 to vector<16xi32>
        %add3A_176 = arith.addi %min3A, %add3A_175 : vector<16xi32>
        %add3A_177 = arith.addi %mul3A_79, %mul3A_172 : vector<16xi32>
        %add3A_178 = arith.addi %add3A_177, %add3A_176 : vector<16xi32>
        %add3A_179 = arith.constant 35937 : i32
        %add3A_180 = vector.broadcast %add3A_179 : i32 to vector<16xi32>
        %add3A_181 = arith.addi %add3A_180, %mul3A_166 : vector<16xi32>
        %add3A_182 = arith.addi %add3A_181, %mul3A_85 : vector<16xi32>
        %add3A_183 = arith.addi %add3A_182, %add3A_176 : vector<16xi32>
        %mul3A_184 = arith.constant 1089 : i32
        %mul3A_185 = vector.broadcast %mul3A_184 : i32 to vector<16xi32>
        %mul3A_186 = arith.muli %add3A_176, %mul3A_185 : vector<16xi32>
        %add3A_187 = arith.constant 71874 : i32
        %add3A_188 = vector.broadcast %add3A_187 : i32 to vector<16xi32>
        %add3A_189 = arith.addi %add3A_188, %mul3A_186 : vector<16xi32>
        %add3A_190 = arith.addi %add3A_189, %mul3A_85 : vector<16xi32>
        %add3A_191 = arith.constant 1 : i32
        %add3A_192 = vector.broadcast %add3A_191 : i32 to vector<16xi32>
        %add3A_193 = arith.addi %min3A_53, %add3A_192 : vector<16xi32>
        %add3A_194 = arith.addi %add3A_190, %add3A_193 : vector<16xi32>
        %gather3A_195 = tpu.vector_load_idx %arg7[%add3A_178] : memref<107811xf32, #tpu.memory_space<vmem>>[vector<16xi32>], vector<16xf32>,
        %mul3A_196 = arith.mulf %mul3A_173, %gather3A_195 : vector<16xf32>
        %add3A_197 = arith.addf %add3A_153, %mul3A_196 : vector<16xf32>
        %gather3A_198 = tpu.vector_load_idx %arg7[%add3A_183] : memref<107811xf32, #tpu.memory_space<vmem>>[vector<16xi32>], vector<16xf32>,
        %mul3A_199 = arith.mulf %mul3A_173, %gather3A_198 : vector<16xf32>
        %add3A_200 = arith.addf %add3A_156, %mul3A_199 : vector<16xf32>
        %gather3A_201 = tpu.vector_load_idx %arg7[%add3A_194] : memref<107811xf32, #tpu.memory_space<vmem>>[vector<16xi32>], vector<16xf32>,
        %mul3A_202 = arith.mulf %mul3A_173, %gather3A_201 : vector<16xf32>
        %add3A_203 = arith.addf %add3A_159, %mul3A_202 : vector<16xf32>
        %mul3A_204 = arith.mulf %sub3A, %mul3A_160 : vector<16xf32>
        %add3A_205 = arith.constant 1 : i32
        %add3A_206 = vector.broadcast %add3A_205 : i32 to vector<16xi32>
        %add3A_207 = arith.addi %min3A, %add3A_206 : vector<16xi32>
        %add3A_208 = arith.addi %mul3A_79, %mul3A_172 : vector<16xi32>
        %add3A_209 = arith.addi %add3A_208, %add3A_207 : vector<16xi32>
        %add3A_210 = arith.constant 35937 : i32
        %add3A_211 = vector.broadcast %add3A_210 : i32 to vector<16xi32>
        %add3A_212 = arith.addi %add3A_211, %mul3A_166 : vector<16xi32>
        %add3A_213 = arith.addi %add3A_212, %mul3A_85 : vector<16xi32>
        %add3A_214 = arith.addi %add3A_213, %add3A_207 : vector<16xi32>
        %mul3A_215 = arith.constant 1089 : i32
        %mul3A_216 = vector.broadcast %mul3A_215 : i32 to vector<16xi32>
        %mul3A_217 = arith.muli %add3A_207, %mul3A_216 : vector<16xi32>
        %add3A_218 = arith.constant 71874 : i32
        %add3A_219 = vector.broadcast %add3A_218 : i32 to vector<16xi32>
        %add3A_220 = arith.addi %add3A_219, %mul3A_217 : vector<16xi32>
        %add3A_221 = arith.addi %add3A_220, %mul3A_85 : vector<16xi32>
        %add3A_222 = arith.constant 1 : i32
        %add3A_223 = vector.broadcast %add3A_222 : i32 to vector<16xi32>
        %add3A_224 = arith.addi %min3A_53, %add3A_223 : vector<16xi32>
        %add3A_225 = arith.addi %add3A_221, %add3A_224 : vector<16xi32>
        %gather3A_226 = tpu.vector_load_idx %arg7[%add3A_209] : memref<107811xf32, #tpu.memory_space<vmem>>[vector<16xi32>], vector<16xf32>,
        %mul3A_227 = arith.mulf %mul3A_204, %gather3A_226 : vector<16xf32>
        %add3A_228 = arith.addf %add3A_197, %mul3A_227 : vector<16xf32>
        %gather3A_229 = tpu.vector_load_idx %arg7[%add3A_214] : memref<107811xf32, #tpu.memory_space<vmem>>[vector<16xi32>], vector<16xf32>,
        %mul3A_230 = arith.mulf %mul3A_204, %gather3A_229 : vector<16xf32>
        %add3A_231 = arith.addf %add3A_200, %mul3A_230 : vector<16xf32>
        %gather3A_232 = tpu.vector_load_idx %arg7[%add3A_225] : memref<107811xf32, #tpu.memory_space<vmem>>[vector<16xi32>], vector<16xf32>,
        %mul3A_233 = arith.mulf %mul3A_204, %gather3A_232 : vector<16xf32>
        %add3A_234 = arith.addf %add3A_203, %mul3A_233 : vector<16xf32>
        %add3A_235 = arith.constant 1 : i32
        %add3A_236 = vector.broadcast %add3A_235 : i32 to vector<16xi32>
        %add3A_237 = arith.addi %min3A_56, %add3A_236 : vector<16xi32>
        %mul3A_238 = arith.constant 1089 : i32
        %mul3A_239 = vector.broadcast %mul3A_238 : i32 to vector<16xi32>
        %mul3A_240 = arith.muli %add3A_237, %mul3A_239 : vector<16xi32>
        %add3A_241 = arith.constant 1 : i32
        %add3A_242 = vector.broadcast %add3A_241 : i32 to vector<16xi32>
        %add3A_243 = arith.addi %min3A_56, %add3A_242 : vector<16xi32>
        %mul3A_244 = arith.constant 33 : i32
        %mul3A_245 = vector.broadcast %mul3A_244 : i32 to vector<16xi32>
        %mul3A_246 = arith.muli %add3A_243, %mul3A_245 : vector<16xi32>
        %mul3A_247 = arith.mulf %sub3A_65, %sub3A_61 : vector<16xf32>
        %add3A_248 = arith.constant 0 : i32
        %add3A_249 = vector.broadcast %add3A_248 : i32 to vector<16xi32>
        %add3A_250 = arith.addi %min3A_53, %add3A_249 : vector<16xi32>
        %mul3A_251 = arith.constant 1089 : i32
        %mul3A_252 = vector.broadcast %mul3A_251 : i32 to vector<16xi32>
        %mul3A_253 = arith.muli %add3A_250, %mul3A_252 : vector<16xi32>
        %add3A_254 = arith.constant 0 : i32
        %add3A_255 = vector.broadcast %add3A_254 : i32 to vector<16xi32>
        %add3A_256 = arith.addi %min3A_53, %add3A_255 : vector<16xi32>
        %mul3A_257 = arith.constant 33 : i32
        %mul3A_258 = vector.broadcast %mul3A_257 : i32 to vector<16xi32>
        %mul3A_259 = arith.muli %add3A_256, %mul3A_258 : vector<16xi32>
        %mul3A_260 = arith.mulf %sub3A_63, %mul3A_247 : vector<16xf32>
        %add3A_261 = arith.constant 0 : i32
        %add3A_262 = vector.broadcast %add3A_261 : i32 to vector<16xi32>
        %add3A_263 = arith.addi %min3A, %add3A_262 : vector<16xi32>
        %add3A_264 = arith.addi %mul3A_240, %mul3A_259 : vector<16xi32>
        %add3A_265 = arith.addi %add3A_264, %add3A_263 : vector<16xi32>
        %add3A_266 = arith.constant 35937 : i32
        %add3A_267 = vector.broadcast %add3A_266 : i32 to vector<16xi32>
        %add3A_268 = arith.addi %add3A_267, %mul3A_253 : vector<16xi32>
        %add3A_269 = arith.addi %add3A_268, %mul3A_246 : vector<16xi32>
        %add3A_270 = arith.addi %add3A_269, %add3A_263 : vector<16xi32>
        %mul3A_271 = arith.constant 1089 : i32
        %mul3A_272 = vector.broadcast %mul3A_271 : i32 to vector<16xi32>
        %mul3A_273 = arith.muli %add3A_263, %mul3A_272 : vector<16xi32>
        %add3A_274 = arith.constant 71874 : i32
        %add3A_275 = vector.broadcast %add3A_274 : i32 to vector<16xi32>
        %add3A_276 = arith.addi %add3A_275, %mul3A_273 : vector<16xi32>
        %add3A_277 = arith.addi %add3A_276, %mul3A_246 : vector<16xi32>
        %add3A_278 = arith.constant 0 : i32
        %add3A_279 = vector.broadcast %add3A_278 : i32 to vector<16xi32>
        %add3A_280 = arith.addi %min3A_53, %add3A_279 : vector<16xi32>
        %add3A_281 = arith.addi %add3A_277, %add3A_280 : vector<16xi32>
        %gather3A_282 = tpu.vector_load_idx %arg7[%add3A_265] : memref<107811xf32, #tpu.memory_space<vmem>>[vector<16xi32>], vector<16xf32>,
        %mul3A_283 = arith.mulf %mul3A_260, %gather3A_282 : vector<16xf32>
        %add3A_284 = arith.addf %add3A_228, %mul3A_283 : vector<16xf32>
        %gather3A_285 = tpu.vector_load_idx %arg7[%add3A_270] : memref<107811xf32, #tpu.memory_space<vmem>>[vector<16xi32>], vector<16xf32>,
        %mul3A_286 = arith.mulf %mul3A_260, %gather3A_285 : vector<16xf32>
        %add3A_287 = arith.addf %add3A_231, %mul3A_286 : vector<16xf32>
        %gather3A_288 = tpu.vector_load_idx %arg7[%add3A_281] : memref<107811xf32, #tpu.memory_space<vmem>>[vector<16xi32>], vector<16xf32>,
        %mul3A_289 = arith.mulf %mul3A_260, %gather3A_288 : vector<16xf32>
        %add3A_290 = arith.addf %add3A_234, %mul3A_289 : vector<16xf32>
        %mul3A_291 = arith.mulf %sub3A, %mul3A_247 : vector<16xf32>
        %add3A_292 = arith.constant 1 : i32
        %add3A_293 = vector.broadcast %add3A_292 : i32 to vector<16xi32>
        %add3A_294 = arith.addi %min3A, %add3A_293 : vector<16xi32>
        %add3A_295 = arith.addi %mul3A_240, %mul3A_259 : vector<16xi32>
        %add3A_296 = arith.addi %add3A_295, %add3A_294 : vector<16xi32>
        %add3A_297 = arith.constant 35937 : i32
        %add3A_298 = vector.broadcast %add3A_297 : i32 to vector<16xi32>
        %add3A_299 = arith.addi %add3A_298, %mul3A_253 : vector<16xi32>
        %add3A_300 = arith.addi %add3A_299, %mul3A_246 : vector<16xi32>
        %add3A_301 = arith.addi %add3A_300, %add3A_294 : vector<16xi32>
        %mul3A_302 = arith.constant 1089 : i32
        %mul3A_303 = vector.broadcast %mul3A_302 : i32 to vector<16xi32>
        %mul3A_304 = arith.muli %add3A_294, %mul3A_303 : vector<16xi32>
        %add3A_305 = arith.constant 71874 : i32
        %add3A_306 = vector.broadcast %add3A_305 : i32 to vector<16xi32>
        %add3A_307 = arith.addi %add3A_306, %mul3A_304 : vector<16xi32>
        %add3A_308 = arith.addi %add3A_307, %mul3A_246 : vector<16xi32>
        %add3A_309 = arith.constant 0 : i32
        %add3A_310 = vector.broadcast %add3A_309 : i32 to vector<16xi32>
        %add3A_311 = arith.addi %min3A_53, %add3A_310 : vector<16xi32>
        %add3A_312 = arith.addi %add3A_308, %add3A_311 : vector<16xi32>
        %gather3A_313 = tpu.vector_load_idx %arg7[%add3A_296] : memref<107811xf32, #tpu.memory_space<vmem>>[vector<16xi32>], vector<16xf32>,
        %mul3A_314 = arith.mulf %mul3A_291, %gather3A_313 : vector<16xf32>
        %add3A_315 = arith.addf %add3A_284, %mul3A_314 : vector<16xf32>
        %gather3A_316 = tpu.vector_load_idx %arg7[%add3A_301] : memref<107811xf32, #tpu.memory_space<vmem>>[vector<16xi32>], vector<16xf32>,
        %mul3A_317 = arith.mulf %mul3A_291, %gather3A_316 : vector<16xf32>
        %add3A_318 = arith.addf %add3A_287, %mul3A_317 : vector<16xf32>
        %gather3A_319 = tpu.vector_load_idx %arg7[%add3A_312] : memref<107811xf32, #tpu.memory_space<vmem>>[vector<16xi32>], vector<16xf32>,
        %mul3A_320 = arith.mulf %mul3A_291, %gather3A_319 : vector<16xf32>
        %add3A_321 = arith.addf %add3A_290, %mul3A_320 : vector<16xf32>
        %mul3A_322 = arith.mulf %sub3A_59, %sub3A_61 : vector<16xf32>
        %add3A_323 = arith.constant 1 : i32
        %add3A_324 = vector.broadcast %add3A_323 : i32 to vector<16xi32>
        %add3A_325 = arith.addi %min3A_53, %add3A_324 : vector<16xi32>
        %mul3A_326 = arith.constant 1089 : i32
        %mul3A_327 = vector.broadcast %mul3A_326 : i32 to vector<16xi32>
        %mul3A_328 = arith.muli %add3A_325, %mul3A_327 : vector<16xi32>
        %add3A_329 = arith.constant 1 : i32
        %add3A_330 = vector.broadcast %add3A_329 : i32 to vector<16xi32>
        %add3A_331 = arith.addi %min3A_53, %add3A_330 : vector<16xi32>
        %mul3A_332 = arith.constant 33 : i32
        %mul3A_333 = vector.broadcast %mul3A_332 : i32 to vector<16xi32>
        %mul3A_334 = arith.muli %add3A_331, %mul3A_333 : vector<16xi32>
        %mul3A_335 = arith.mulf %sub3A_63, %mul3A_322 : vector<16xf32>
        %add3A_336 = arith.constant 0 : i32
        %add3A_337 = vector.broadcast %add3A_336 : i32 to vector<16xi32>
        %add3A_338 = arith.addi %min3A, %add3A_337 : vector<16xi32>
        %add3A_339 = arith.addi %mul3A_240, %mul3A_334 : vector<16xi32>
        %add3A_340 = arith.addi %add3A_339, %add3A_338 : vector<16xi32>
        %add3A_341 = arith.constant 35937 : i32
        %add3A_342 = vector.broadcast %add3A_341 : i32 to vector<16xi32>
        %add3A_343 = arith.addi %add3A_342, %mul3A_328 : vector<16xi32>
        %add3A_344 = arith.addi %add3A_343, %mul3A_246 : vector<16xi32>
        %add3A_345 = arith.addi %add3A_344, %add3A_338 : vector<16xi32>
        %mul3A_346 = arith.constant 1089 : i32
        %mul3A_347 = vector.broadcast %mul3A_346 : i32 to vector<16xi32>
        %mul3A_348 = arith.muli %add3A_338, %mul3A_347 : vector<16xi32>
        %add3A_349 = arith.constant 71874 : i32
        %add3A_350 = vector.broadcast %add3A_349 : i32 to vector<16xi32>
        %add3A_351 = arith.addi %add3A_350, %mul3A_348 : vector<16xi32>
        %add3A_352 = arith.addi %add3A_351, %mul3A_246 : vector<16xi32>
        %add3A_353 = arith.constant 1 : i32
        %add3A_354 = vector.broadcast %add3A_353 : i32 to vector<16xi32>
        %add3A_355 = arith.addi %min3A_53, %add3A_354 : vector<16xi32>
        %add3A_356 = arith.addi %add3A_352, %add3A_355 : vector<16xi32>
        %gather3A_357 = tpu.vector_load_idx %arg7[%add3A_340] : memref<107811xf32, #tpu.memory_space<vmem>>[vector<16xi32>], vector<16xf32>,
        %mul3A_358 = arith.mulf %mul3A_335, %gather3A_357 : vector<16xf32>
        %add3A_359 = arith.addf %add3A_315, %mul3A_358 : vector<16xf32>
        %gather3A_360 = tpu.vector_load_idx %arg7[%add3A_345] : memref<107811xf32, #tpu.memory_space<vmem>>[vector<16xi32>], vector<16xf32>,
        %mul3A_361 = arith.mulf %mul3A_335, %gather3A_360 : vector<16xf32>
        %add3A_362 = arith.addf %add3A_318, %mul3A_361 : vector<16xf32>
        %gather3A_363 = tpu.vector_load_idx %arg7[%add3A_356] : memref<107811xf32, #tpu.memory_space<vmem>>[vector<16xi32>], vector<16xf32>,
        %mul3A_364 = arith.mulf %mul3A_335, %gather3A_363 : vector<16xf32>
        %add3A_365 = arith.addf %add3A_321, %mul3A_364 : vector<16xf32>
        %mul3A_366 = arith.mulf %sub3A, %mul3A_322 : vector<16xf32>
        %add3A_367 = arith.constant 1 : i32
        %add3A_368 = vector.broadcast %add3A_367 : i32 to vector<16xi32>
        %add3A_369 = arith.addi %min3A, %add3A_368 : vector<16xi32>
        %add3A_370 = arith.addi %mul3A_240, %mul3A_334 : vector<16xi32>
        %add3A_371 = arith.addi %add3A_370, %add3A_369 : vector<16xi32>
        %add3A_372 = arith.constant 35937 : i32
        %add3A_373 = vector.broadcast %add3A_372 : i32 to vector<16xi32>
        %add3A_374 = arith.addi %add3A_373, %mul3A_328 : vector<16xi32>
        %add3A_375 = arith.addi %add3A_374, %mul3A_246 : vector<16xi32>
        %add3A_376 = arith.addi %add3A_375, %add3A_369 : vector<16xi32>
        %mul3A_377 = arith.constant 1089 : i32
        %mul3A_378 = vector.broadcast %mul3A_377 : i32 to vector<16xi32>
        %mul3A_379 = arith.muli %add3A_369, %mul3A_378 : vector<16xi32>
        %add3A_380 = arith.constant 71874 : i32
        %add3A_381 = vector.broadcast %add3A_380 : i32 to vector<16xi32>
        %add3A_382 = arith.addi %add3A_381, %mul3A_379 : vector<16xi32>
        %add3A_383 = arith.addi %add3A_382, %mul3A_246 : vector<16xi32>
        %add3A_384 = arith.constant 1 : i32
        %add3A_385 = vector.broadcast %add3A_384 : i32 to vector<16xi32>
        %add3A_386 = arith.addi %min3A_53, %add3A_385 : vector<16xi32>
        %add3A_387 = arith.addi %add3A_383, %add3A_386 : vector<16xi32>
        %gather3A_388 = tpu.vector_load_idx %arg7[%add3A_371] : memref<107811xf32, #tpu.memory_space<vmem>>[vector<16xi32>], vector<16xf32>,
        %mul3A_389 = arith.mulf %mul3A_366, %gather3A_388 : vector<16xf32>
        %add3A_390 = arith.addf %add3A_359, %mul3A_389 : vector<16xf32>
        %gather3A_391 = tpu.vector_load_idx %arg7[%add3A_376] : memref<107811xf32, #tpu.memory_space<vmem>>[vector<16xi32>], vector<16xf32>,
        %mul3A_392 = arith.mulf %mul3A_366, %gather3A_391 : vector<16xf32>
        %add3A_393 = arith.addf %add3A_362, %mul3A_392 : vector<16xf32>
        %gather3A_394 = tpu.vector_load_idx %arg7[%add3A_387] : memref<107811xf32, #tpu.memory_space<vmem>>[vector<16xi32>], vector<16xf32>,
        %mul3A_395 = arith.mulf %mul3A_366, %gather3A_394 : vector<16xf32>
        %add3A_396 = arith.addf %add3A_365, %mul3A_395 : vector<16xf32>
        %add3A_397 = arith.addf %add3A_390, %get3A_34 : vector<16xf32>
        %mul3A_398 = arith.constant 16 : i32
        %mul3A_399 = arith.muli %scan3A_30, %mul3A_398 : i32
        %swap3A = arith.index_cast %mul3A_399 : i32 to index
        %swap3A_400 = tpu.vector_load %arg11[%swap3A] {strides = array<i32>} : memref<1536xf32, #tpu.memory_space<vmem>>, vector<16xf32>,
        tpu.vector_store %arg11[%swap3A], %add3A_397 {strides = array<i32>} : memref<1536xf32, #tpu.memory_space<vmem>>, vector<16xf32>,
        %add3A_401 = arith.addf %add3A_393, %get3A_38 : vector<16xf32>
        %mul3A_402 = arith.constant 16 : i32
        %mul3A_403 = arith.muli %scan3A_30, %mul3A_402 : i32
        %add3A_404 = arith.constant 512 : i32
        %add3A_405 = arith.addi %add3A_404, %mul3A_403 : i32
        %swap3A_406 = arith.index_cast %add3A_405 : i32 to index
        %swap3A_407 = tpu.vector_load %arg11[%swap3A_406] {strides = array<i32>} : memref<1536xf32, #tpu.memory_space<vmem>>, vector<16xf32>,
        tpu.vector_store %arg11[%swap3A_406], %add3A_401 {strides = array<i32>} : memref<1536xf32, #tpu.memory_space<vmem>>, vector<16xf32>,
        %add3A_408 = arith.addf %add3A_396, %get3A_42 : vector<16xf32>
        %mul3A_409 = arith.constant 16 : i32
        %mul3A_410 = arith.muli %scan3A_30, %mul3A_409 : i32
        %add3A_411 = arith.constant 1024 : i32
        %add3A_412 = arith.addi %add3A_411, %mul3A_410 : i32
        %swap3A_413 = arith.index_cast %add3A_412 : i32 to index
        %swap3A_414 = tpu.vector_load %arg11[%swap3A_413] {strides = array<i32>} : memref<1536xf32, #tpu.memory_space<vmem>>, vector<16xf32>,
        tpu.vector_store %arg11[%swap3A_413], %add3A_408 {strides = array<i32>} : memref<1536xf32, #tpu.memory_space<vmem>>, vector<16xf32>,
        %scan3A_415 = arith.constant 0 : i32
        scf.yield %scan3A_415 : i32
      }
      %scan3A_24 = arith.constant 32 : i32
      "tpu.region"() ({
        %run_scoped3A = tpu.sem_alloc : memref<!tpu.dma_semaphore, #tpu.memory_space<semaphore_mem>>
        %dma_start3A = arith.constant 0 : i32
        %dma_start3A_30 = tpu.memref_slice %arg11[%dma_start3A] : memref<1536xf32, #tpu.memory_space<vmem>> -> memref<512xf32, #tpu.memory_space<vmem>>
        %dma_start3A_31 = tpu.memref_slice %arg6[%add3A_17] : memref<786432xf32, #tpu.memory_space<hbm>> -> memref<512xf32, #tpu.memory_space<hbm>>
        %dma_start3A_32 = tpu.memref_slice %arg6[%add3A_17] : memref<786432xf32, #tpu.memory_space<hbm>> -> memref<512xf32, #tpu.memory_space<hbm>>
        %dma_start3A_33 = arith.constant 0 : i32
        %dma_start3A_34 = tpu.memref_slice %arg11[%dma_start3A_33] : memref<1536xf32, #tpu.memory_space<vmem>> -> memref<512xf32, #tpu.memory_space<vmem>>
        tpu.enqueue_dma source(%dma_start3A_34 : memref<512xf32, #tpu.memory_space<vmem>>) target(%dma_start3A_32 : memref<512xf32, #tpu.memory_space<hbm>>) target_semaphore(%run_scoped3A : memref<!tpu.dma_semaphore, #tpu.memory_space<semaphore_mem>>)
        %dma_wait3A = arith.constant 0 : i32
        %dma_wait3A_35 = tpu.memref_slice %arg11[%dma_wait3A] : memref<1536xf32, #tpu.memory_space<vmem>> -> memref<512xf32, #tpu.memory_space<vmem>>
        %dma_wait3A_36 = tpu.memref_slice %arg6[%add3A_17] : memref<786432xf32, #tpu.memory_space<hbm>> -> memref<512xf32, #tpu.memory_space<hbm>>
        %dma_wait3A_37 = tpu.memref_slice %arg6[%add3A_17] : memref<786432xf32, #tpu.memory_space<hbm>> -> memref<512xf32, #tpu.memory_space<hbm>>
        %dma_wait3A_38 = arith.constant 0 : i32
        %dma_wait3A_39 = tpu.memref_slice %arg11[%dma_wait3A_38] : memref<1536xf32, #tpu.memory_space<vmem>> -> memref<512xf32, #tpu.memory_space<vmem>>
        tpu.wait_dma2 semaphore(%run_scoped3A : memref<!tpu.dma_semaphore, #tpu.memory_space<semaphore_mem>>) src(%dma_wait3A_39 : memref<512xf32, #tpu.memory_space<vmem>>) dst(%dma_wait3A_37 : memref<512xf32, #tpu.memory_space<hbm>>)
        tpu.yield
      }) : () -> ()
      %add3A_25 = arith.constant 262144 : i32
      %add3A_26 = arith.addi %add3A_25, %add3A_17 : i32
      "tpu.region"() ({
        %run_scoped3A = tpu.sem_alloc : memref<!tpu.dma_semaphore, #tpu.memory_space<semaphore_mem>>
        %dma_start3A = arith.constant 512 : i32
        %dma_start3A_30 = tpu.memref_slice %arg11[%dma_start3A] : memref<1536xf32, #tpu.memory_space<vmem>> -> memref<512xf32, #tpu.memory_space<vmem>>
        %dma_start3A_31 = tpu.memref_slice %arg6[%add3A_26] : memref<786432xf32, #tpu.memory_space<hbm>> -> memref<512xf32, #tpu.memory_space<hbm>>
        %dma_start3A_32 = tpu.memref_slice %arg6[%add3A_26] : memref<786432xf32, #tpu.memory_space<hbm>> -> memref<512xf32, #tpu.memory_space<hbm>>
        %dma_start3A_33 = arith.constant 512 : i32
        %dma_start3A_34 = tpu.memref_slice %arg11[%dma_start3A_33] : memref<1536xf32, #tpu.memory_space<vmem>> -> memref<512xf32, #tpu.memory_space<vmem>>
        tpu.enqueue_dma source(%dma_start3A_34 : memref<512xf32, #tpu.memory_space<vmem>>) target(%dma_start3A_32 : memref<512xf32, #tpu.memory_space<hbm>>) target_semaphore(%run_scoped3A : memref<!tpu.dma_semaphore, #tpu.memory_space<semaphore_mem>>)
        %dma_wait3A = arith.constant 512 : i32
        %dma_wait3A_35 = tpu.memref_slice %arg11[%dma_wait3A] : memref<1536xf32, #tpu.memory_space<vmem>> -> memref<512xf32, #tpu.memory_space<vmem>>
        %dma_wait3A_36 = tpu.memref_slice %arg6[%add3A_26] : memref<786432xf32, #tpu.memory_space<hbm>> -> memref<512xf32, #tpu.memory_space<hbm>>
        %dma_wait3A_37 = tpu.memref_slice %arg6[%add3A_26] : memref<786432xf32, #tpu.memory_space<hbm>> -> memref<512xf32, #tpu.memory_space<hbm>>
        %dma_wait3A_38 = arith.constant 512 : i32
        %dma_wait3A_39 = tpu.memref_slice %arg11[%dma_wait3A_38] : memref<1536xf32, #tpu.memory_space<vmem>> -> memref<512xf32, #tpu.memory_space<vmem>>
        tpu.wait_dma2 semaphore(%run_scoped3A : memref<!tpu.dma_semaphore, #tpu.memory_space<semaphore_mem>>) src(%dma_wait3A_39 : memref<512xf32, #tpu.memory_space<vmem>>) dst(%dma_wait3A_37 : memref<512xf32, #tpu.memory_space<hbm>>)
        tpu.yield
      }) : () -> ()
      %add3A_27 = arith.constant 524288 : i32
      %add3A_28 = arith.addi %add3A_27, %add3A_17 : i32
      "tpu.region"() ({
        %run_scoped3A = tpu.sem_alloc : memref<!tpu.dma_semaphore, #tpu.memory_space<semaphore_mem>>
        %dma_start3A = arith.constant 1024 : i32
        %dma_start3A_30 = tpu.memref_slice %arg11[%dma_start3A] : memref<1536xf32, #tpu.memory_space<vmem>> -> memref<512xf32, #tpu.memory_space<vmem>>
        %dma_start3A_31 = tpu.memref_slice %arg6[%add3A_28] : memref<786432xf32, #tpu.memory_space<hbm>> -> memref<512xf32, #tpu.memory_space<hbm>>
        %dma_start3A_32 = tpu.memref_slice %arg6[%add3A_28] : memref<786432xf32, #tpu.memory_space<hbm>> -> memref<512xf32, #tpu.memory_space<hbm>>
        %dma_start3A_33 = arith.constant 1024 : i32
        %dma_start3A_34 = tpu.memref_slice %arg11[%dma_start3A_33] : memref<1536xf32, #tpu.memory_space<vmem>> -> memref<512xf32, #tpu.memory_space<vmem>>
        tpu.enqueue_dma source(%dma_start3A_34 : memref<512xf32, #tpu.memory_space<vmem>>) target(%dma_start3A_32 : memref<512xf32, #tpu.memory_space<hbm>>) target_semaphore(%run_scoped3A : memref<!tpu.dma_semaphore, #tpu.memory_space<semaphore_mem>>)
        %dma_wait3A = arith.constant 1024 : i32
        %dma_wait3A_35 = tpu.memref_slice %arg11[%dma_wait3A] : memref<1536xf32, #tpu.memory_space<vmem>> -> memref<512xf32, #tpu.memory_space<vmem>>
        %dma_wait3A_36 = tpu.memref_slice %arg6[%add3A_28] : memref<786432xf32, #tpu.memory_space<hbm>> -> memref<512xf32, #tpu.memory_space<hbm>>
        %dma_wait3A_37 = tpu.memref_slice %arg6[%add3A_28] : memref<786432xf32, #tpu.memory_space<hbm>> -> memref<512xf32, #tpu.memory_space<hbm>>
        %dma_wait3A_38 = arith.constant 1024 : i32
        %dma_wait3A_39 = tpu.memref_slice %arg11[%dma_wait3A_38] : memref<1536xf32, #tpu.memory_space<vmem>> -> memref<512xf32, #tpu.memory_space<vmem>>
        tpu.wait_dma2 semaphore(%run_scoped3A : memref<!tpu.dma_semaphore, #tpu.memory_space<semaphore_mem>>) src(%dma_wait3A_39 : memref<512xf32, #tpu.memory_space<vmem>>) dst(%dma_wait3A_37 : memref<512xf32, #tpu.memory_space<hbm>>)
        tpu.yield
      }) : () -> ()
      %scan3A_29 = arith.constant 0 : i32
      scf.yield %scan3A_29 : i32
    }
    %scan3A_12 = arith.constant 16 : i32
    return
  }
}

#map = affine_map<(d0, d1) -> (0, 0)>
#map1 = affine_map<(d0, d1) -> (0)>
module attributes {stable_mosaic.version = 14 : i64} {
  func.func @_feat_sum_body(%arg0: i32, %arg1: i32, %arg2: memref<147362x32xf32, #tpu.memory_space<hbm>>, %arg3: memref<524288xi32, #tpu.memory_space<hbm>>, %arg4: memref<32x32xf32, #tpu.memory_space<hbm>>, %arg5: memref<128xi32, #tpu.memory_space<vmem>>, %arg6: memref<128x32xf32, #tpu.memory_space<vmem>>, %arg7: memref<32xf32, #tpu.memory_space<vmem>>, %arg8: memref<!tpu.dma_semaphore, #tpu.memory_space<semaphore_mem>>) attributes {dimension_semantics = [#tpu.dimension_semantics<core_parallel>, #tpu.dimension_semantics<subcore_parallel>], iteration_bounds = array<i64: 2, 16>, scalar_prefetch = 0 : i64, scratch_operands = 4 : i64, tpu.core_type = #tpu.core_type<sc_vector_subcore>, window_params = [{transform_indices = #map}, {transform_indices = #map1}, {transform_indices = #map}]} {
    %mul3A = arith.constant 2 : i32
    %mul3A_0 = arith.muli %arg1, %mul3A : i32
    %add3A = arith.addi %mul3A_0, %arg0 : i32
    %mul3A_1 = arith.constant 16384 : i32
    %mul3A_2 = arith.muli %add3A, %mul3A_1 : i32
    %broadcast_in_dim3A = arith.constant 0.000000e+00 : f32
    %broadcast_in_dim3A_3 = vector.broadcast %broadcast_in_dim3A : f32 to vector<16xf32>
    %scan3A = arith.constant 0 : i32
    %scan3A_4 = arith.constant 128 : i32
    %scan3A_5 = arith.addi %scan3A, %scan3A_4 : i32
    %scan3A_6 = arith.constant 1 : i32
    %scan3A_7:2 = scf.for %scan3A_16 = %scan3A to %scan3A_5 step %scan3A_6 iter_args(%scan3A_17 = %broadcast_in_dim3A_3, %scan3A_18 = %broadcast_in_dim3A_3) -> (vector<16xf32>, vector<16xf32>)  : i32 {
      %mul3A_19 = arith.constant 128 : i32
      %mul3A_20 = arith.muli %scan3A_16, %mul3A_19 : i32
      %add3A_21 = arith.addi %mul3A_2, %mul3A_20 : i32
      "tpu.region"() ({
        %run_scoped3A = tpu.sem_alloc : memref<!tpu.dma_semaphore, #tpu.memory_space<semaphore_mem>>
        %dma_start3A_34 = tpu.memref_slice %arg3[%add3A_21] : memref<524288xi32, #tpu.memory_space<hbm>> -> memref<128xi32, #tpu.memory_space<hbm>>
        %dma_start3A_35 = tpu.memref_slice %arg3[%add3A_21] : memref<524288xi32, #tpu.memory_space<hbm>> -> memref<128xi32, #tpu.memory_space<hbm>>
        tpu.enqueue_dma source(%dma_start3A_35 : memref<128xi32, #tpu.memory_space<hbm>>) target(%arg5 : memref<128xi32, #tpu.memory_space<vmem>>) target_semaphore(%run_scoped3A : memref<!tpu.dma_semaphore, #tpu.memory_space<semaphore_mem>>)
        %dma_wait3A_36 = tpu.memref_slice %arg3[%add3A_21] : memref<524288xi32, #tpu.memory_space<hbm>> -> memref<128xi32, #tpu.memory_space<hbm>>
        %dma_wait3A_37 = tpu.memref_slice %arg3[%add3A_21] : memref<524288xi32, #tpu.memory_space<hbm>> -> memref<128xi32, #tpu.memory_space<hbm>>
        tpu.wait_dma2 semaphore(%run_scoped3A : memref<!tpu.dma_semaphore, #tpu.memory_space<semaphore_mem>>) src(%dma_wait3A_37 : memref<128xi32, #tpu.memory_space<hbm>>) dst(%arg5 : memref<128xi32, #tpu.memory_space<vmem>>)
        tpu.yield
      }) : () -> ()
      %dma_start3A = arith.constant 0 : i32
      %dma_start3A_22 = arith.constant 0 : i32
      %dma_start3A_23 = tpu.memref_slice %arg2[%dma_start3A, %dma_start3A_22] : memref<147362x32xf32, #tpu.memory_space<hbm>> -> memref<147362x32xf32, #tpu.memory_space<hbm>>
      tpu.enqueue_indirect_dma source(%dma_start3A_23 : memref<147362x32xf32, #tpu.memory_space<hbm>>) target(%arg6 : memref<128x32xf32, #tpu.memory_space<vmem>>) offsets(%arg5 : memref<128xi32, #tpu.memory_space<vmem>>) semaphore(%arg8 : memref<!tpu.dma_semaphore, #tpu.memory_space<semaphore_mem>>)
      %dma_wait3A = arith.constant 0 : i32
      %dma_wait3A_24 = arith.constant 0 : i32
      %dma_wait3A_25 = tpu.memref_slice %arg2[%dma_wait3A, %dma_wait3A_24] : memref<147362x32xf32, #tpu.memory_space<hbm>> -> memref<147362x32xf32, #tpu.memory_space<hbm>>
      tpu.wait_indirect_dma semaphore(%arg8 : memref<!tpu.dma_semaphore, #tpu.memory_space<semaphore_mem>>) src(%dma_wait3A_25 : memref<147362x32xf32, #tpu.memory_space<hbm>>) dst(%arg6 : memref<128x32xf32, #tpu.memory_space<vmem>>)
      %scan3A_26 = arith.constant 0 : i32
      %scan3A_27 = arith.constant 128 : i32
      %scan3A_28 = arith.addi %scan3A_26, %scan3A_27 : i32
      %scan3A_29 = arith.constant 1 : i32
      %scan3A_30:2 = scf.for %scan3A_34 = %scan3A_26 to %scan3A_28 step %scan3A_29 iter_args(%scan3A_35 = %broadcast_in_dim3A_3, %scan3A_36 = %broadcast_in_dim3A_3) -> (vector<16xf32>, vector<16xf32>)  : i32 {
        %get3A = arith.index_cast %scan3A_34 : i32 to index
        %get3A_37 = arith.constant 0 : index
        %get3A_38 = tpu.vector_load %arg6[%get3A, %get3A_37] {strides = array<i32>} : memref<128x32xf32, #tpu.memory_space<vmem>>, vector<1x16xf32>,
        %get3A_39 = vector.shape_cast %get3A_38 : vector<1x16xf32> to vector<16xf32>
        %add3A_40 = arith.addf %scan3A_35, %get3A_39 : vector<16xf32>
        %get3A_41 = arith.index_cast %scan3A_34 : i32 to index
        %get3A_42 = arith.constant 16 : index
        %get3A_43 = tpu.vector_load %arg6[%get3A_41, %get3A_42] {strides = array<i32>} : memref<128x32xf32, #tpu.memory_space<vmem>>, vector<1x16xf32>,
        %get3A_44 = vector.shape_cast %get3A_43 : vector<1x16xf32> to vector<16xf32>
        %add3A_45 = arith.addf %scan3A_36, %get3A_44 : vector<16xf32>
        scf.yield %add3A_40, %add3A_45 : vector<16xf32>, vector<16xf32>
      }
      %scan3A_31 = arith.constant 128 : i32
      %add3A_32 = arith.addf %scan3A_17, %scan3A_30#0 : vector<16xf32>
      %add3A_33 = arith.addf %scan3A_18, %scan3A_30#1 : vector<16xf32>
      scf.yield %add3A_32, %add3A_33 : vector<16xf32>, vector<16xf32>
    }
    %scan3A_8 = arith.constant 128 : i32
    %swap3A = arith.constant 0 : index
    %swap3A_9 = tpu.vector_load %arg7[%swap3A] {strides = array<i32>} : memref<32xf32, #tpu.memory_space<vmem>>, vector<16xf32>,
    %swap3A_10 = vector.shape_cast %swap3A_9 : vector<16xf32> to vector<16xf32>
    %swap3A_11 = vector.shape_cast %scan3A_7#0 : vector<16xf32> to vector<16xf32>
    tpu.vector_store %arg7[%swap3A], %swap3A_11 {strides = array<i32>} : memref<32xf32, #tpu.memory_space<vmem>>, vector<16xf32>,
    %swap3A_12 = arith.constant 16 : index
    %swap3A_13 = tpu.vector_load %arg7[%swap3A_12] {strides = array<i32>} : memref<32xf32, #tpu.memory_space<vmem>>, vector<16xf32>,
    %swap3A_14 = vector.shape_cast %swap3A_13 : vector<16xf32> to vector<16xf32>
    %swap3A_15 = vector.shape_cast %scan3A_7#1 : vector<16xf32> to vector<16xf32>
    tpu.vector_store %arg7[%swap3A_12], %swap3A_15 {strides = array<i32>} : memref<32xf32, #tpu.memory_space<vmem>>, vector<16xf32>,
    "tpu.region"() ({
      %run_scoped3A = tpu.sem_alloc : memref<!tpu.dma_semaphore, #tpu.memory_space<semaphore_mem>>
      %dma_start3A = arith.constant 0 : i32
      %dma_start3A_16 = tpu.memref_slice %arg4[%add3A, %dma_start3A] : memref<32x32xf32, #tpu.memory_space<hbm>> -> memref<1x32xf32, #tpu.memory_space<hbm>>
      %dma_start3A_17 = tpu.memref_squeeze %dma_start3A_16 : memref<1x32xf32, #tpu.memory_space<hbm>> -> memref<32xf32, #tpu.memory_space<hbm>>
      %dma_start3A_18 = arith.constant 0 : i32
      %dma_start3A_19 = tpu.memref_slice %arg4[%add3A, %dma_start3A_18] : memref<32x32xf32, #tpu.memory_space<hbm>> -> memref<1x32xf32, #tpu.memory_space<hbm>>
      %dma_start3A_20 = tpu.memref_squeeze %dma_start3A_19 : memref<1x32xf32, #tpu.memory_space<hbm>> -> memref<32xf32, #tpu.memory_space<hbm>>
      tpu.enqueue_dma source(%arg7 : memref<32xf32, #tpu.memory_space<vmem>>) target(%dma_start3A_20 : memref<32xf32, #tpu.memory_space<hbm>>) target_semaphore(%run_scoped3A : memref<!tpu.dma_semaphore, #tpu.memory_space<semaphore_mem>>)
      %dma_wait3A = arith.constant 0 : i32
      %dma_wait3A_21 = tpu.memref_slice %arg4[%add3A, %dma_wait3A] : memref<32x32xf32, #tpu.memory_space<hbm>> -> memref<1x32xf32, #tpu.memory_space<hbm>>
      %dma_wait3A_22 = tpu.memref_squeeze %dma_wait3A_21 : memref<1x32xf32, #tpu.memory_space<hbm>> -> memref<32xf32, #tpu.memory_space<hbm>>
      %dma_wait3A_23 = arith.constant 0 : i32
      %dma_wait3A_24 = tpu.memref_slice %arg4[%add3A, %dma_wait3A_23] : memref<32x32xf32, #tpu.memory_space<hbm>> -> memref<1x32xf32, #tpu.memory_space<hbm>>
      %dma_wait3A_25 = tpu.memref_squeeze %dma_wait3A_24 : memref<1x32xf32, #tpu.memory_space<hbm>> -> memref<32xf32, #tpu.memory_space<hbm>>
      tpu.wait_dma2 semaphore(%run_scoped3A : memref<!tpu.dma_semaphore, #tpu.memory_space<semaphore_mem>>) src(%arg7 : memref<32xf32, #tpu.memory_space<vmem>>) dst(%dma_wait3A_25 : memref<32xf32, #tpu.memory_space<hbm>>)
      tpu.yield
    }) : () -> ()
    return
  }
}

module attributes {stable_mosaic.version = 14 : i64} {
  func.func @_recon_body(%arg0: memref<1x20xf32, #tpu.memory_space<vmem>>, %arg1: memref<20x300xf32, #tpu.memory_space<vmem>>, %arg2: memref<15x300xf32, #tpu.memory_space<vmem>>, %arg3: memref<300x10xf32, #tpu.memory_space<vmem>>, %arg4: memref<10x1089xf32, #tpu.memory_space<vmem>>, %arg5: memref<33x5xf32, #tpu.memory_space<vmem>>, %arg6: memref<99x1089xf32, #tpu.memory_space<vmem>>) attributes {dimension_semantics = [], scalar_prefetch = 0 : i64, scratch_operands = 0 : i64, tpu.core_type = #tpu.core_type<tc>} {
    %get3A = arith.constant 0 : index
    %get3A_0 = arith.constant 0 : index
    %get3A_1 = vector.load %arg0[%get3A, %get3A_0] : memref<1x20xf32, #tpu.memory_space<vmem>>, vector<1x20xf32>
    %get3A_2 = arith.constant 0 : index
    %get3A_3 = arith.constant 0 : index
    %get3A_4 = vector.load %arg1[%get3A_2, %get3A_3] : memref<20x300xf32, #tpu.memory_space<vmem>>, vector<20x300xf32>
    %dot_general3A = arith.constant dense<0.000000e+00> : vector<1x300xf32>
    %dot_general3A_5 = tpu.matmul %get3A_1, %get3A_4, %dot_general3A {dimension_numbers = #tpu.dot_dimension_numbers<[1], [0], [0], [1], [0, 0, 1, 1], [], []>, transpose_lhs_hint = false} : vector<1x20xf32>, vector<20x300xf32>, vector<1x300xf32> -> vector<1x300xf32>
    %get3A_6 = arith.constant 0 : index
    %get3A_7 = arith.constant 0 : index
    %get3A_8 = vector.load %arg2[%get3A_6, %get3A_7] : memref<15x300xf32, #tpu.memory_space<vmem>>, vector<15x300xf32>
    %mul3A = vector.broadcast %dot_general3A_5 : vector<1x300xf32> to vector<15x300xf32>
    %mul3A_9 = arith.mulf %get3A_8, %mul3A : vector<15x300xf32>
    %get3A_10 = arith.constant 0 : index
    %get3A_11 = arith.constant 0 : index
    %get3A_12 = vector.load %arg3[%get3A_10, %get3A_11] : memref<300x10xf32, #tpu.memory_space<vmem>>, vector<300x10xf32>
    %dot_general3A_13 = arith.constant dense<0.000000e+00> : vector<15x10xf32>
    %dot_general3A_14 = tpu.matmul %mul3A_9, %get3A_12, %dot_general3A_13 {dimension_numbers = #tpu.dot_dimension_numbers<[1], [0], [0], [1], [0, 0, 1, 1], [], []>, transpose_lhs_hint = false} : vector<15x300xf32>, vector<300x10xf32>, vector<15x10xf32> -> vector<15x10xf32>
    %get3A_15 = arith.constant 0 : index
    %get3A_16 = arith.constant 0 : index
    %get3A_17 = vector.load %arg4[%get3A_15, %get3A_16] : memref<10x1089xf32, #tpu.memory_space<vmem>>, vector<10x1089xf32>
    %dot_general3A_18 = arith.constant dense<0.000000e+00> : vector<15x1089xf32>
    %dot_general3A_19 = tpu.matmul %dot_general3A_14, %get3A_17, %dot_general3A_18 {dimension_numbers = #tpu.dot_dimension_numbers<[1], [0], [0], [1], [0, 0, 1, 1], [], []>, transpose_lhs_hint = false} : vector<15x10xf32>, vector<10x1089xf32>, vector<15x1089xf32> -> vector<15x1089xf32>
    %get3A_20 = arith.constant 0 : index
    %get3A_21 = arith.constant 0 : index
    %get3A_22 = vector.load %arg5[%get3A_20, %get3A_21] : memref<33x5xf32, #tpu.memory_space<vmem>>, vector<33x5xf32>
    %slice3A = vector.extract_strided_slice %dot_general3A_19 {offsets = [0, 0], sizes = [5, 1089], strides = [1, 1]} : vector<15x1089xf32> to vector<5x1089xf32>
    %dot_general3A_23 = arith.constant dense<0.000000e+00> : vector<33x1089xf32>
    %dot_general3A_24 = tpu.matmul %get3A_22, %slice3A, %dot_general3A_23 {dimension_numbers = #tpu.dot_dimension_numbers<[1], [0], [0], [1], [0, 0, 1, 1], [], []>, transpose_lhs_hint = false} : vector<33x5xf32>, vector<5x1089xf32>, vector<33x1089xf32> -> vector<33x1089xf32>
    %slice3A_25 = vector.extract_strided_slice %dot_general3A_19 {offsets = [5, 0], sizes = [5, 1089], strides = [1, 1]} : vector<15x1089xf32> to vector<5x1089xf32>
    %dot_general3A_26 = arith.constant dense<0.000000e+00> : vector<33x1089xf32>
    %dot_general3A_27 = tpu.matmul %get3A_22, %slice3A_25, %dot_general3A_26 {dimension_numbers = #tpu.dot_dimension_numbers<[1], [0], [0], [1], [0, 0, 1, 1], [], []>, transpose_lhs_hint = false} : vector<33x5xf32>, vector<5x1089xf32>, vector<33x1089xf32> -> vector<33x1089xf32>
    %slice3A_28 = vector.extract_strided_slice %dot_general3A_19 {offsets = [10, 0], sizes = [5, 1089], strides = [1, 1]} : vector<15x1089xf32> to vector<5x1089xf32>
    %dot_general3A_29 = arith.constant dense<0.000000e+00> : vector<33x1089xf32>
    %dot_general3A_30 = tpu.matmul %get3A_22, %slice3A_28, %dot_general3A_29 {dimension_numbers = #tpu.dot_dimension_numbers<[1], [0], [0], [1], [0, 0, 1, 1], [], []>, transpose_lhs_hint = false} : vector<33x5xf32>, vector<5x1089xf32>, vector<33x1089xf32> -> vector<33x1089xf32>
    %concatenate3A = tpu.concatenate %dot_general3A_24, %dot_general3A_27, %dot_general3A_30 in 0 : vector<33x1089xf32>, vector<33x1089xf32>, vector<33x1089xf32> -> vector<99x1089xf32>
    %swap3A = arith.constant 0 : index
    %swap3A_31 = arith.constant 0 : index
    %swap3A_32 = vector.load %arg6[%swap3A, %swap3A_31] : memref<99x1089xf32, #tpu.memory_space<vmem>>, vector<99x1089xf32>
    tpu.vector_store %arg6[%swap3A, %swap3A_31], %concatenate3A {strides = array<i32>} : memref<99x1089xf32, #tpu.memory_space<vmem>>, vector<99x1089xf32>,
    return
  }
}

</mosaic_0001>

<sc_bundles>
// kernel: _run.5.cloned.1.call-start
scs
__scs_entry_jumppad:
0x0: {  	(pc) =	sbr.rel $0x88, $3  }
0x1: {  	(tag) =	ssettag $0x0;
	lr =	simm.s32 $0x1  }
0x2: {  	[smem:$0x3F98] =	sst lr;
	_ =	strace $0xD0000000  }
0x3: {  	_ = 	snop  }
0x4: {  	_ = 	snop  }
0x5: {  	_ = 	snop  }
0x6: {  	_ = 	snop  }
0x7: {  	_ = 	snop  }
__scs_overlays_trampoline_lowered:
0x8: {  	[smem:$0x3FA7] =	sst s0  }
0x9: {  	[smem:$0x3FA8] =	sst s1  }
0xa: {  	[smem:$0x3FA9] =	sst s2  }
0xb: {  	[smem:$0x3FAA] =	sst s3  }
0xc: {  	[smem:$0x3FAB] =	sst s4  }
0xd: {  	[smem:$0x3FAC] =	sst s5  }
0xe: {  	[smem:$0x3FAD] =	sst s6  }
0xf: {  	[smem:$0x3FAE] =	sst s7  }
0x10: {  	[smem:$0x3FAF] =	sst s8  }
0x11: {  	[smem:$0x3FB0] =	sst s9;
	s0 =	simm.s32 @!p0 $0x0  }
0x12: {  	s1 =	sld [smem:$0x3F96];
	s0 =	simm.s32 @p0 $0x1  }
0x13: {  	[smem:$0x3FB1] =	sst s0;
	s0 =	simm.s32 @!p1 $0x0  }
0x14: {  	s2 =	sld [smem:$0x3F95];
	s0 =	simm.s32 @p1 $0x1  }
0x15: {  	[smem:$0x3FB2] =	sst s0;
	s0 =	simm.s32 @!p2 $0x0  }
0x16: {  	s3 =	sld [smem:$0x3FDB];
	s0 =	simm.s32 @p2 $0x1  }
0x17: {  	s4 =	simm.s32 $0x1BF5;
	[smem:$0x3FB4] =	sst s0  }
0x18: {  	s0 =	sld [smem:$0x3F97];
	_ =	swait.ge [sflag:s4], $0x0  }
0x19: {  	s7 =	sld [smem:$0x3F98]  }
0x1a: {  	s8 =	sadd.s32 $0xFFFFE003, lr  }
0x1b: {  	s9 =	sadd.s32 $0xFFFFFEF7, lr;
	s5 =	simm.s32 $0xFFFFFFFF;
	p2 =	slt.u32 s8, $0xFFFFF086  }
0x1c: {  	p1 =	slt.u32 s9, $0xF7A;
	s5 =	simm.s32 @!p2 $0x0  }
0x1d: {  	s5 =	simm.s32 @p1 $0x1;
	p0 =	seq.s32 s7, s2  }
0x1e: {  	s7 =	smul.u32 @!p0 $0xF7A, s2;
	p2 =	seq.s32 @!p0 s5, $0x0  }
0x1f: {  	s9 =	smul.u32 $0xF7A, s1;
	s8 =	simm.s32 @!p0 $0x1BF5;
	p2 =	por !p2, p0  }
0x20: {  	[sflag:s8] =	ssyncset.s32 @!p0 $0xFFFFF086;
	s6 =	sadd.s32 @!p0 s3, s7;
	s7 =	simm.s32 @!p0 $0x108  }
0x21: {  	s3 =	sadd.s32 s3, s9;
	s6 =	sadd.s32 @!p0 $0x88, s6;
	s7 =	simm.s32 @p2 $0x1082  }
0x22: {  	[simem:s7], [sflag:s8] =	dma.local @!p0 [hbm:s6], $0xF7A  }
0x23: {  	s9 =	sor.u32 $0xD0000000, s2;
	s6 =	simm.s32 $0x108;
	_ =	swait.ge @!p0 [sflag:s8], $0x0  }
0x24: {  	s3 =	sadd.s32 $0x88, s3;
	s6 =	simm.s32 @!p1 $0x1082;
	[sflag:s4] =	ssyncset.s32 $0xFFFFF086  }
0x25: {  	[simem:s6], [sflag:s4] =	dma.local [hbm:s3], $0xF7A  }
0x26: {  	[smem:$0x3F98] =	sst s1;
	(tag) =	ssettag s2;
	_ =	strace s9  }
0x27: {  	s1 =	sld [smem:$0x3FA8]  }
0x28: {  	s2 =	sld [smem:$0x3FA9]  }
0x29: {  	s4 =	sld [smem:$0x3FAB]  }
0x2a: {  	p0 =	seq.s32 s5, $0x0;
	s5 =	sld [smem:$0x3FAC]  }
0x2b: {  	s6 =	sld [smem:$0x3FAD]  }
0x2c: {  	s7 =	sld [smem:$0x3FAE]  }
0x2d: {  	s3 =	simm.s32 $0x108;
	s8 =	sld [smem:$0x3FAF]  }
0x2e: {  	s3 =	simm.s32 @!p0 $0x1082;
	s9 =	sld [smem:$0x3FB0]  }
0x2f: {  	lr =	sadd.s32 s0, s3;
	s0 =	sld [smem:$0x3FA7]  }
0x30: {  	s3 =	sld [smem:$0x3FAA]  }
0x31: {  	[smem:$0x3FB3] =	sst s10  }
0x32: {  	s10 =	sld [smem:$0x3FB1];
	_ =	sdelay $0x3  }
0x33: {  	p0 =	seq.s32 s10, $0x1;
	s10 =	sld [smem:$0x3FB3];
	_ =	sdelay $0x3  }
0x34: {  	[smem:$0x3FB3] =	sst s10  }
0x35: {  	s10 =	sld [smem:$0x3FB2];
	_ =	sdelay $0x3  }
0x36: {  	p1 =	seq.s32 s10, $0x1;
	s10 =	sld [smem:$0x3FB3];
	_ =	sdelay $0x3  }
0x37: {  	[smem:$0x3FB3] =	sst s10  }
0x38: {  	s10 =	sld [smem:$0x3FB4]  }
0x39: {  	_ = 	snop;
	(pc) =	sbr.ind lr, $3  }
0x3a: {  	_ = 	snop  }
0x3b: {  	_ = 	snop  }
0x3c: {  	p2 =	seq.s32 s10, $0x1;
	s10 =	sld [smem:$0x3FB3]  }
0x3d: {  	_ =	shalt  }
0x3e: {  	_ =	shalt  }
0x3f: {  	_ =	shalt  }
0x40: {  	_ =	shalt  }
0x41: {  	_ =	shalt  }
0x42: {  	_ =	shalt  }
0x43: {  	_ =	shalt  }
0x44: {  	_ =	shalt  }
0x45: {  	_ =	shalt  }
0x46: {  	_ =	shalt  }
0x47: {  	_ =	shalt  }
0x48: {  	_ =	shalt  }
0x49: {  	_ =	shalt  }
0x4a: {  	_ =	shalt  }
0x4b: {  	_ =	shalt  }
0x4c: {  	_ =	shalt  }
0x4d: {  	_ =	shalt  }
0x4e: {  	_ =	shalt  }
0x4f: {  	_ =	shalt  }
0x50: {  	_ =	shalt  }
0x51: {  	_ =	shalt  }
0x52: {  	_ =	shalt  }
0x53: {  	_ =	shalt  }
0x54: {  	_ =	shalt  }
0x55: {  	_ =	shalt  }
0x56: {  	_ =	shalt  }
0x57: {  	_ =	shalt  }
0x58: {  	_ =	shalt  }
0x59: {  	_ =	shalt  }
0x5a: {  	_ =	shalt  }
0x5b: {  	_ =	shalt  }
0x5c: {  	_ =	shalt  }
0x5d: {  	_ =	shalt  }
0x5e: {  	_ =	shalt  }
0x5f: {  	_ =	shalt  }
0x60: {  	_ =	shalt  }
0x61: {  	_ =	shalt  }
0x62: {  	_ =	shalt  }
0x63: {  	_ =	shalt  }
0x64: {  	_ =	shalt  }
0x65: {  	_ =	shalt  }
0x66: {  	_ =	shalt  }
0x67: {  	_ =	shalt  }
0x68: {  	_ =	shalt  }
0x69: {  	_ =	shalt  }
0x6a: {  	_ =	shalt  }
0x6b: {  	_ =	shalt  }
0x6c: {  	_ =	shalt  }
0x6d: {  	_ =	shalt  }
0x6e: {  	_ =	shalt  }
0x6f: {  	_ =	shalt  }
0x70: {  	_ =	shalt  }
0x71: {  	_ =	shalt  }
0x72: {  	_ =	shalt  }
0x73: {  	_ =	shalt  }
0x74: {  	_ =	shalt  }
0x75: {  	_ =	shalt  }
0x76: {  	_ =	shalt  }
0x77: {  	_ =	shalt  }
0x78: {  	_ =	shalt  }
0x79: {  	_ =	shalt  }
0x7a: {  	_ =	shalt  }
0x7b: {  	_ =	shalt  }
0x7c: {  	_ =	shalt  }
0x7d: {  	_ =	shalt  }
0x7e: {  	_ =	shalt  }
0x7f: {  	_ =	shalt  }
0x80: {  	_ =	shalt  }
0x81: {  	_ =	shalt  }
0x82: {  	_ =	shalt  }
0x83: {  	_ =	shalt  }
0x84: {  	_ =	shalt  }
0x85: {  	_ =	shalt  }
0x86: {  	_ =	shalt  }
0x87: {  	_ =	shalt  }
.Lfunc_end0:
.L_simem_size_0:
called_computation_lowered:
.L_overlay_start_0:
0x88: {  	s2 =	sld [smem:$0x3FD9]  }
0x89: {  	s3 =	sld [smem:$0x3FFE];
	_ =	sdelay $0x1  }
0x8a: {  	s1 =	srdreg.scid  }
0x8b: {  	s0 =	sand.u32 $0x1, s1  }
0x8c: {  	s14 =	sshll.u32 s0, $0xA;
	s2 =	sadd.s32 s3, s2  }
0x8d: {  	s2 =	sadd.s32 s2, s14  }
0x8e: {  	[smem:$0x3FBF] =	sst s2  }
0x8f: {  	_ = 	snop  }
0x90: {  	s2 =	sld [smem:$0x3FD0];
	_ =	sdelay $0x2  }
0x91: {  	s15 =	simm.s32 $0xA;
	s4 =	simm.s32 $0x10  }
0x92: {  	[smem:s4], [sflag:s15] =	dma.local [hbm:s2], $0x1  }
0x93: {  	_ =	swait.eq [sflag:s15], $0x1  }
0x94: {  	[sflag:s15] =	ssyncset.done $0x0  }
0x95: {  	s16 =	sld [smem:$0x10];
	[sflag:s15] =	ssyncadd.s32 $0xFFFFFFFF  }
0x96: {  	s17 =	sld [smem:$0x11];
	(tm) =	ssettm $0x1  }
0x97: {  	s18 =	sld [smem:$0x3FFB];
	_ =	sdelay $0x3  }
0x98: {  	_ =	strace s18  }
0x99: {  	s4 =	sld [smem:$0x3FFC];
	_ =	sdelay $0x3  }
0x9a: {  	_ =	strace s4  }
0x9b: {  	s4 =	sld [smem:$0x3FFD];
	_ =	sdelay $0x3  }
0x9c: {  	_ =	strace s4  }
0x9d: {  	_ =	strace $0x8FFFFFFF  }
0x9e: {  	s19 =	sld [smem:$0x3FDB];
	_ =	sdelay $0x1  }
0x9f: {  	s5 =	simm.s32 $_scs_section_size  }
0xa0: {  	s6 =	simm.s32 $_size__tile_overlayer_lowered;
	s7 =	simm.s32 $_tile_overlayer_lowered  }
0xa1: {  	s22 =	simm.s32 $0x1BFF;
	s21 =	sshll.u32 s7, $0x1;
	s4 =	sadd.s32 s5, s19  }
0xa2: {  	s8 =	simm.s32 $0x0;
	s20 =	sshll.u32 s6, $0x1;
	s6 =	sadd.s32 s21, s4  }
0xa3: {  	[timem:s8], [sflag:s22] =	dma.local [hbm:s6], s20  }
0xa4: {  	_ =	swait.ge [sflag:s22], s20  }
0xa5: {  	s5 =	ssub.s32 $0x0, s20;
	[sflag:s22] =	ssyncset.done $0x0  }
0xa6: {  	[sflag:s22] =	ssyncadd.s32 s5;
	_ =	sdelay $0x1  }
0xa7: {  	s23 =	simm.s32 $0x1B8B  }
0xa8: {  	_ =	swait.ge [sflag:s23], $0x1  }
0xa9: {  	[sflag:s23] =	ssyncset.done $0x0  }
0xaa: {  	s25 =	simm.s32 $0x1B8E;
	s24 =	sld [smem:$0x3FFE];
	[sflag:s23] =	ssyncadd.s32 $0xFFFFFFFF  }
0xab: {  	s26 =	simm.s32 $execute0_lowered;
	[smem:$0x3FD2] =	sst s25  }
0xac: {  	s6 =	sshll.u32 s26, $0x1;
	_ =	strace $0x80000046;
	[dreg:$0x1] =	wrdreg $0xFFFFFFFF  }
0xad: {  	s28 =	simm.s32 $_size_execute0_lowered;
	s4 =	sadd.s32 s4, s6;
	[dreg:$0x0] =	wrdreg $0x0  }
0xae: {  	s6 =	sshll.u32 s28, $0x1;
	[dreg:$0x2] =	wrdreg s4  }
0xaf: {  	[dreg:$0x3] =	wrdreg s6  }
0xb0: {  	[dreg:$0x4] =	wrdreg $0xC0  }
0xb1: {  	_ =	task [dreg:s8], $0x5FFFF  }
0xb2: {  	[dreg:$0x1] =	wrdreg $0xFFFFFFFF  }
0xb3: {  	[dreg:$0x0] =	wrdreg $0x60  }
0xb4: {  	[dreg:$0x2] =	wrdreg s24  }
0xb5: {  	[dreg:$0x3] =	wrdreg s16  }
0xb6: {  	[dreg:$0x4] =	wrdreg s17  }
0xb7: {  	[dreg:$0x5] =	wrdreg $0x9  }
0xb8: {  	_ =	task.clear_ibuf [dreg:s8], $0x6FFFF;
	_ =	strace $0x90000046  }
0xb9: {  	s29 =	simm.s32 $0x9;
	_ =	strace $0x80000048  }
0xba: {  	_ =	swait.ge [sflag:s29], $0x1  }
0xbb: {  	[sflag:s29] =	ssyncadd.s32 $0xFFFFFFFF  }
0xbc: {  	_ =	strace $0x90000048  }
0xbd: {  	_ =	sfence  }
0xbe: {  	s30 =	sld [smem:$0x0];
	_ =	sdelay $0x2  }
0xbf: {  	s31 =	sshll.u32 s1, $0xD;
	s1 =	sshrl.u32 s1, $0x2  }
0xc0: {  	s3 =	sand.u32 $0x4000, s31;
	s1 =	sadd.s32 s1, s30  }
0xc1: {  	s0 =	sor.u32 s3, s0;
	s1 =	sshll.u32 s1, $0x11  }
0xc2: {  	s0 =	sor.u32 s1, s0  }
0xc3: {  	s0 =	sadd.s32 $0x8F2B, s0  }
0xc4: {  	[sflag:s0] =	ssyncadd.remote.s32 $0x1  }
0xc5: {  	_ =	sfence.sel $0xFFFF  }
0xc6: {  	[dreg:$0x0] =	wrdreg $0xFFFFFFFF;
	(pc) =	sbr.abs _section_cstart, $3  }
0xc7: {  	[dreg:$0x1] =	wrdreg $0xFFFFFFFF  }
0xc8: {  	_ =	task.clear_ibuf [dreg:s8], $0x2FFFF;
	_ =	strace $0x9FFFFFFF  }
0xc9: {  	(tm) =	ssettm $0x7FFFFFFF  }
tec
execute0_lowered:
.L_overlay_start_1:
0x0: {  	(tag) =	ssettag $0x1  }
0x1: {  	s3 =	rddreg [dreg:$0x0]  }
0x2: {  	s4 =	rddreg [dreg:$0x1]  }
0x3: {  	s5 =	rddreg [dreg:$0x2]  }
0x4: {  	s0 =	rddreg [dreg:$0x3];
	s2 =	simm.s32 $0x0  }
0x5: {  	s6 =	srdreg.scid;
	s1 =	stileid.u32;
	s10 =	simm.s32 $0x1080  }
0x6: {  	s11 =	simm.s32 $0x0;
	[smem:$0x7FF] =	sst s2;
	s6 =	sand.u32 $0x1, s6  }
0x7: {  	s7 =	sshll.u32 s1, $0x1;
	s3 =	sadd.s32 $0xA00, s3;
	s8 =	ssub.s32 $0x2, s6  }
0x8: {  	_ =	strace $0x80000047;
	s6 =	sor.u32 s6, s7;
	s31 =	sshrl.u32 s8, $0x1  }
0x9: {  	s9 =	sshll.u32 s6, $0xB;
	s6 =	sshll.u32 s6, $0x2;
	s7 =	ssub.s32 s8, s31  }
0xa: {  	s4 =	sadd.s32 s4, s9;
	s5 =	sadd.s32 s5, s6;
	s8 =	simm.s32 $0x80  }
0xb: {  	s9 =	simm.s32 $0x1;
	s6 =	smax.u32 s7, $0x1;
	s7 =	simm.s32 $0x2  }
.LBB2_1:
0xc: {  	v0 =	vimm.f32 $0.0e+00;
	v1 =	vimm.f32 $0.0e+00;
	s12 =	simm.s32 $0x0  }
.LBB2_2:
0xd: {  	s13 =	sshll.u32 s12, $0x4  }
0xe: {  	s14 =	simm.s32 $0x0;
	s13 =	sadd.s32 s13, s4  }
0xf: {  	[tilespmem:s14], [sflag:$0x2] =	stream.linear.gather [hbm4b:s13+s14], $0x80, $0x38;
	[tilespmem:$0x10A0] =	vst v63  }
0x10: {  	_ =	swait.ge [sflag:s7], $0x80  }
0x11: {  	[sflag:s7] =	ssyncset.done $0x0  }
0x12: {  	[sflag:s7] =	ssyncadd.s32 $0xFFFFFF80  }
0x13: {  	[tilespmem:s8], [sflag:$0x1] =	stream.indirect.gather [hbm4b:s3+s8], $0x20, s14, s8, $0xb8;
	[tilespmem:$0x10A0] =	vst v63  }
0x14: {  	_ =	swait.ge [sflag:s9], $0x1000  }
0x15: {  	[sflag:s9] =	ssyncset.done $0x0  }
0x16: {  	s31 =	simm.s32 $0x0;
	[sflag:s9] =	ssyncadd.s32 $0xFFFFF000  }
0x17: {  	v2 =	vld [tilespmem:s31+$0x90]  }
0x18: {  	v3 =	vimm.f32 $0.0e+00;
	v4 =	vimm.f32 $0.0e+00;
	s13 =	simm.s32 $0x80;
	v5 =	vld [tilespmem:s31+$0x80]  }
.LBB2_3:
0x19: {  	p0 =	sne.s32 s13, $0x3F80  }
.Ltmp0:
0x1a: {  	_ = 	snop;
	(pc) =	sbr.rel @p0 .LBB2_3-.Ltmp0, $4  }
0x1b: {  	_ = 	snop  }
0x1c: {  	s14 =	sshra.s32 s13, $0x2;
	s13 =	sadd.s32 $0x80, s13;
	v3 =	vadd.f32 v2, v3  }
0x1d: {  	v2 =	vld [tilespmem:s14+$0x90];
	v4 =	vadd.f32 v5, v4  }
0x1e: {  	v5 =	vld [tilespmem:s14+$0x80]  }
0x1f: {  	s12 =	sadd.s32 $0x1, s12  }
0x20: {  	p0 =	sne.s32 s12, $0x80  }
.Ltmp1:
0x21: {  	_ = 	snop;
	(pc) =	sbr.rel @p0 .LBB2_2-.Ltmp1, $3  }
0x22: {  	_ = 	snop  }
0x23: {  	v2 =	vadd.f32 v2, v3;
	v3 =	vadd.f32 v5, v4;
	_ =	sdelay $0x1  }
0x24: {  	v0 =	vadd.f32 v2, v0;
	v1 =	vadd.f32 v3, v1  }
0x25: {  	s11 =	sadd.s32 $0x1, s11  }
0x26: {  	[tilespmem:$0x1080] =	vst v1;
	p0 =	sne.s32 s11, s6  }
.Ltmp2:
0x27: {  	[tilespmem:$0x1090] =	vst v0;
	(pc) =	sbr.rel @p0 .LBB2_1-.Ltmp2, $4  }
0x28: {  	[hbm4b:s5+s2] =	stream.linear.scatter [tilespmem:s10], [sflag:$0x2], $0x20, $0x38;
	[tilespmem:$0x10A0] =	vst v63  }
0x29: {  	_ =	swait.ge [sflag:s7], $0x20  }
0x2a: {  	[sflag:s7] =	ssyncset.done $0x0  }
0x2b: {  	[sflag:s7] =	ssyncadd.s32 $0xFFFFFFE0  }
0x2c: {  	_ =	sfence.sel $0x180000  }
0x2d: {  	[bflag:$0x0] =	sbarrier.arrive $0xFFFF  }
0x2e: {  	p0 =	sne.s32 s1, $0x0;
	_ =	strace $0x90000047  }
0x2f: {  	s0 =	sadd.s32 @!p0 $0x100000, s0;
	[bflag:$0x2] =	sbarrier.arrive $0xFFFF  }
0x30: {  	[sflag:s0] =	ssyncadd.tile.s32 @!p0 $0x1;
	_ =	shalt  }
.Lfunc_end2:
_tile_overlayer_lowered:
.L_overlay_start_2:
0x31: {  	(tag) =	ssettag $0x2  }
0x32: {  	s0 =	rddreg [dreg:$0x0];
	s2 =	stileid.u32  }
0x33: {  	s1 =	rddreg [dreg:$0x1];
	p0 =	sne.s32 s2, $0x0  }
0x34: {  	s3 =	rddreg [dreg:$0x2];
	[bflag:$0x3] =	sbarrier.arrive $0xFFFF;
	s2 =	simm.s32 @!p0 $0x1C02  }
0x35: {  	[timem:s3], [sflag:s2] =	dma.local @!p0 [hbm:s0], s1  }
0x36: {  	s0 =	simm.s32 @!p0 $0x2  }
0x37: {  	_ =	swait.ge @!p0 [sflag:s0], s1  }
0x38: {  	s1 =	ssub.s32 @!p0 $0x0, s1;
	[sflag:s0] =	ssyncset.done @!p0 $0x0  }
0x39: {  	[sflag:s0] =	ssyncadd.s32 @!p0 s1  }
0x3a: {  	[bflag:$0x3] =	sbarrier.arrive $0xFFFF  }
0x3b: {  	_ =	shalt  }

// kernel: _run.8.cloned.1.call-start
scs
__scs_entry_jumppad:
0x0: {  	(pc) =	sbr.rel $0x88, $3  }
0x1: {  	(tag) =	ssettag $0x0;
	lr =	simm.s32 $0x1  }
0x2: {  	[smem:$0x3F98] =	sst lr;
	_ =	strace $0xD0000000  }
0x3: {  	_ = 	snop  }
0x4: {  	_ = 	snop  }
0x5: {  	_ = 	snop  }
0x6: {  	_ = 	snop  }
0x7: {  	_ = 	snop  }
__scs_overlays_trampoline_lowered:
0x8: {  	[smem:$0x3FA7] =	sst s0  }
0x9: {  	[smem:$0x3FA8] =	sst s1  }
0xa: {  	[smem:$0x3FA9] =	sst s2  }
0xb: {  	[smem:$0x3FAA] =	sst s3  }
0xc: {  	[smem:$0x3FAB] =	sst s4  }
0xd: {  	[smem:$0x3FAC] =	sst s5  }
0xe: {  	[smem:$0x3FAD] =	sst s6  }
0xf: {  	[smem:$0x3FAE] =	sst s7  }
0x10: {  	[smem:$0x3FAF] =	sst s8  }
0x11: {  	[smem:$0x3FB0] =	sst s9;
	s0 =	simm.s32 @!p0 $0x0  }
0x12: {  	s1 =	sld [smem:$0x3F96];
	s0 =	simm.s32 @p0 $0x1  }
0x13: {  	[smem:$0x3FB1] =	sst s0;
	s0 =	simm.s32 @!p1 $0x0  }
0x14: {  	s2 =	sld [smem:$0x3F95];
	s0 =	simm.s32 @p1 $0x1  }
0x15: {  	[smem:$0x3FB2] =	sst s0;
	s0 =	simm.s32 @!p2 $0x0  }
0x16: {  	s3 =	sld [smem:$0x3FDB];
	s0 =	simm.s32 @p2 $0x1  }
0x17: {  	s4 =	simm.s32 $0x1BF5;
	[smem:$0x3FB4] =	sst s0  }
0x18: {  	s0 =	sld [smem:$0x3F97];
	_ =	swait.ge [sflag:s4], $0x0  }
0x19: {  	s7 =	sld [smem:$0x3F98]  }
0x1a: {  	s8 =	sadd.s32 $0xFFFFE003, lr  }
0x1b: {  	s9 =	sadd.s32 $0xFFFFFEF7, lr;
	s5 =	simm.s32 $0xFFFFFFFF;
	p2 =	slt.u32 s8, $0xFFFFF086  }
0x1c: {  	p1 =	slt.u32 s9, $0xF7A;
	s5 =	simm.s32 @!p2 $0x0  }
0x1d: {  	s5 =	simm.s32 @p1 $0x1;
	p0 =	seq.s32 s7, s2  }
0x1e: {  	s7 =	smul.u32 @!p0 $0xF7A, s2;
	p2 =	seq.s32 @!p0 s5, $0x0  }
0x1f: {  	s9 =	smul.u32 $0xF7A, s1;
	s8 =	simm.s32 @!p0 $0x1BF5;
	p2 =	por !p2, p0  }
0x20: {  	[sflag:s8] =	ssyncset.s32 @!p0 $0xFFFFF086;
	s6 =	sadd.s32 @!p0 s3, s7;
	s7 =	simm.s32 @!p0 $0x108  }
0x21: {  	s3 =	sadd.s32 s3, s9;
	s6 =	sadd.s32 @!p0 $0x88, s6;
	s7 =	simm.s32 @p2 $0x1082  }
0x22: {  	[simem:s7], [sflag:s8] =	dma.local @!p0 [hbm:s6], $0xF7A  }
0x23: {  	s9 =	sor.u32 $0xD0000000, s2;
	s6 =	simm.s32 $0x108;
	_ =	swait.ge @!p0 [sflag:s8], $0x0  }
0x24: {  	s3 =	sadd.s32 $0x88, s3;
	s6 =	simm.s32 @!p1 $0x1082;
	[sflag:s4] =	ssyncset.s32 $0xFFFFF086  }
0x25: {  	[simem:s6], [sflag:s4] =	dma.local [hbm:s3], $0xF7A  }
0x26: {  	[smem:$0x3F98] =	sst s1;
	(tag) =	ssettag s2;
	_ =	strace s9  }
0x27: {  	s1 =	sld [smem:$0x3FA8]  }
0x28: {  	s2 =	sld [smem:$0x3FA9]  }
0x29: {  	s4 =	sld [smem:$0x3FAB]  }
0x2a: {  	p0 =	seq.s32 s5, $0x0;
	s5 =	sld [smem:$0x3FAC]  }
0x2b: {  	s6 =	sld [smem:$0x3FAD]  }
0x2c: {  	s7 =	sld [smem:$0x3FAE]  }
0x2d: {  	s3 =	simm.s32 $0x108;
	s8 =	sld [smem:$0x3FAF]  }
0x2e: {  	s3 =	simm.s32 @!p0 $0x1082;
	s9 =	sld [smem:$0x3FB0]  }
0x2f: {  	lr =	sadd.s32 s0, s3;
	s0 =	sld [smem:$0x3FA7]  }
0x30: {  	s3 =	sld [smem:$0x3FAA]  }
0x31: {  	[smem:$0x3FB3] =	sst s10  }
0x32: {  	s10 =	sld [smem:$0x3FB1];
	_ =	sdelay $0x3  }
0x33: {  	p0 =	seq.s32 s10, $0x1;
	s10 =	sld [smem:$0x3FB3];
	_ =	sdelay $0x3  }
0x34: {  	[smem:$0x3FB3] =	sst s10  }
0x35: {  	s10 =	sld [smem:$0x3FB2];
	_ =	sdelay $0x3  }
0x36: {  	p1 =	seq.s32 s10, $0x1;
	s10 =	sld [smem:$0x3FB3];
	_ =	sdelay $0x3  }
0x37: {  	[smem:$0x3FB3] =	sst s10  }
0x38: {  	s10 =	sld [smem:$0x3FB4]  }
0x39: {  	_ = 	snop;
	(pc) =	sbr.ind lr, $3  }
0x3a: {  	_ = 	snop  }
0x3b: {  	_ = 	snop  }
0x3c: {  	p2 =	seq.s32 s10, $0x1;
	s10 =	sld [smem:$0x3FB3]  }
0x3d: {  	_ =	shalt  }
0x3e: {  	_ =	shalt  }
0x3f: {  	_ =	shalt  }
0x40: {  	_ =	shalt  }
0x41: {  	_ =	shalt  }
0x42: {  	_ =	shalt  }
0x43: {  	_ =	shalt  }
0x44: {  	_ =	shalt  }
0x45: {  	_ =	shalt  }
0x46: {  	_ =	shalt  }
0x47: {  	_ =	shalt  }
0x48: {  	_ =	shalt  }
0x49: {  	_ =	shalt  }
0x4a: {  	_ =	shalt  }
0x4b: {  	_ =	shalt  }
0x4c: {  	_ =	shalt  }
0x4d: {  	_ =	shalt  }
0x4e: {  	_ =	shalt  }
0x4f: {  	_ =	shalt  }
0x50: {  	_ =	shalt  }
0x51: {  	_ =	shalt  }
0x52: {  	_ =	shalt  }
0x53: {  	_ =	shalt  }
0x54: {  	_ =	shalt  }
0x55: {  	_ =	shalt  }
0x56: {  	_ =	shalt  }
0x57: {  	_ =	shalt  }
0x58: {  	_ =	shalt  }
0x59: {  	_ =	shalt  }
0x5a: {  	_ =	shalt  }
0x5b: {  	_ =	shalt  }
0x5c: {  	_ =	shalt  }
0x5d: {  	_ =	shalt  }
0x5e: {  	_ =	shalt  }
0x5f: {  	_ =	shalt  }
0x60: {  	_ =	shalt  }
0x61: {  	_ =	shalt  }
0x62: {  	_ =	shalt  }
0x63: {  	_ =	shalt  }
0x64: {  	_ =	shalt  }
0x65: {  	_ =	shalt  }
0x66: {  	_ =	shalt  }
0x67: {  	_ =	shalt  }
0x68: {  	_ =	shalt  }
0x69: {  	_ =	shalt  }
0x6a: {  	_ =	shalt  }
0x6b: {  	_ =	shalt  }
0x6c: {  	_ =	shalt  }
0x6d: {  	_ =	shalt  }
0x6e: {  	_ =	shalt  }
0x6f: {  	_ =	shalt  }
0x70: {  	_ =	shalt  }
0x71: {  	_ =	shalt  }
0x72: {  	_ =	shalt  }
0x73: {  	_ =	shalt  }
0x74: {  	_ =	shalt  }
0x75: {  	_ =	shalt  }
0x76: {  	_ =	shalt  }
0x77: {  	_ =	shalt  }
0x78: {  	_ =	shalt  }
0x79: {  	_ =	shalt  }
0x7a: {  	_ =	shalt  }
0x7b: {  	_ =	shalt  }
0x7c: {  	_ =	shalt  }
0x7d: {  	_ =	shalt  }
0x7e: {  	_ =	shalt  }
0x7f: {  	_ =	shalt  }
0x80: {  	_ =	shalt  }
0x81: {  	_ =	shalt  }
0x82: {  	_ =	shalt  }
0x83: {  	_ =	shalt  }
0x84: {  	_ =	shalt  }
0x85: {  	_ =	shalt  }
0x86: {  	_ =	shalt  }
0x87: {  	_ =	shalt  }
.Lfunc_end0:
.L_simem_size_0:
called_computation.1_lowered:
.L_overlay_start_0:
0x88: {  	s2 =	sld [smem:$0x3FD9]  }
0x89: {  	s3 =	sld [smem:$0x3FFE];
	_ =	sdelay $0x1  }
0x8a: {  	s1 =	srdreg.scid  }
0x8b: {  	s0 =	sand.u32 $0x1, s1  }
0x8c: {  	s14 =	sshll.u32 s0, $0xA;
	s2 =	sadd.s32 s3, s2  }
0x8d: {  	s2 =	sadd.s32 s2, s14  }
0x8e: {  	[smem:$0x3FBF] =	sst s2  }
0x8f: {  	_ = 	snop  }
0x90: {  	s2 =	sld [smem:$0x3FD0];
	_ =	sdelay $0x2  }
0x91: {  	s15 =	simm.s32 $0xA;
	s4 =	simm.s32 $0x10  }
0x92: {  	[smem:s4], [sflag:s15] =	dma.local [hbm:s2], $0x1  }
0x93: {  	_ =	swait.eq [sflag:s15], $0x1  }
0x94: {  	[sflag:s15] =	ssyncset.done $0x0  }
0x95: {  	[sflag:s15] =	ssyncadd.s32 $0xFFFFFFFF  }
0x96: {  	s16 =	sld [smem:$0x10];
	(tm) =	ssettm $0x1  }
0x97: {  	s17 =	sld [smem:$0x3FFB];
	_ =	sdelay $0x3  }
0x98: {  	_ =	strace s17  }
0x99: {  	s3 =	sld [smem:$0x3FFC];
	_ =	sdelay $0x3  }
0x9a: {  	_ =	strace s3  }
0x9b: {  	s3 =	sld [smem:$0x3FFD];
	_ =	sdelay $0x3  }
0x9c: {  	_ =	strace s3  }
0x9d: {  	_ =	strace $0x8FFFFFFF  }
0x9e: {  	s18 =	sld [smem:$0x3FDB];
	_ =	sdelay $0x1  }
0x9f: {  	s19 =	simm.s32 $_scs_section_size  }
0xa0: {  	s5 =	simm.s32 $_size__tile_overlayer_lowered;
	s6 =	simm.s32 $_tile_overlayer_lowered  }
0xa1: {  	s22 =	simm.s32 $0x1BFF;
	s21 =	sshll.u32 s6, $0x1;
	s3 =	sadd.s32 s19, s18  }
0xa2: {  	s7 =	simm.s32 $0x0;
	s20 =	sshll.u32 s5, $0x1;
	s5 =	sadd.s32 s21, s3  }
0xa3: {  	[timem:s7], [sflag:s22] =	dma.local [hbm:s5], s20  }
0xa4: {  	_ =	swait.ge [sflag:s22], s20  }
0xa5: {  	s4 =	ssub.s32 $0x0, s20;
	[sflag:s22] =	ssyncset.done $0x0  }
0xa6: {  	[sflag:s22] =	ssyncadd.s32 s4;
	_ =	sdelay $0x1  }
0xa7: {  	s23 =	simm.s32 $0x1B8B  }
0xa8: {  	_ =	swait.ge [sflag:s23], $0x1  }
0xa9: {  	[sflag:s23] =	ssyncset.done $0x0  }
0xaa: {  	s25 =	simm.s32 $0x1B8E;
	s24 =	sld [smem:$0x3FFE];
	[sflag:s23] =	ssyncadd.s32 $0xFFFFFFFF  }
0xab: {  	s26 =	simm.s32 $execute0_lowered;
	[smem:$0x3FD2] =	sst s25  }
0xac: {  	s5 =	sshll.u32 s26, $0x1;
	_ =	strace $0x80000049;
	[dreg:$0x1] =	wrdreg $0xFFFFFFFF  }
0xad: {  	s28 =	simm.s32 $_size_execute0_lowered;
	s3 =	sadd.s32 s3, s5;
	[dreg:$0x0] =	wrdreg $0x0  }
0xae: {  	s5 =	sshll.u32 s28, $0x1;
	[dreg:$0x2] =	wrdreg s3  }
0xaf: {  	[dreg:$0x3] =	wrdreg s5  }
0xb0: {  	[dreg:$0x4] =	wrdreg $0xC0  }
0xb1: {  	_ =	task [dreg:s7], $0x5FFFF  }
0xb2: {  	[dreg:$0x1] =	wrdreg $0xFFFFFFFF  }
0xb3: {  	[dreg:$0x0] =	wrdreg $0x60  }
0xb4: {  	[dreg:$0x2] =	wrdreg s16  }
0xb5: {  	[dreg:$0x3] =	wrdreg s24  }
0xb6: {  	[dreg:$0x4] =	wrdreg $0x9  }
0xb7: {  	_ =	task.clear_ibuf [dreg:s7], $0x5FFFF;
	_ =	strace $0x90000049  }
0xb8: {  	s29 =	simm.s32 $0x9;
	_ =	strace $0x8000004B  }
0xb9: {  	_ =	swait.ge [sflag:s29], $0x1  }
0xba: {  	[sflag:s29] =	ssyncadd.s32 $0xFFFFFFFF  }
0xbb: {  	_ =	strace $0x9000004B  }
0xbc: {  	_ =	sfence  }
0xbd: {  	s30 =	sld [smem:$0x0];
	_ =	sdelay $0x2  }
0xbe: {  	s31 =	sshll.u32 s1, $0xD;
	s1 =	sshrl.u32 s1, $0x2  }
0xbf: {  	s3 =	sand.u32 $0x4000, s31;
	s1 =	sadd.s32 s1, s30  }
0xc0: {  	s0 =	sor.u32 s3, s0;
	s1 =	sshll.u32 s1, $0x11  }
0xc1: {  	s0 =	sor.u32 s1, s0  }
0xc2: {  	s0 =	sadd.s32 $0x8F2B, s0  }
0xc3: {  	[sflag:s0] =	ssyncadd.remote.s32 $0x1  }
0xc4: {  	_ =	sfence.sel $0xFFFF  }
0xc5: {  	[dreg:$0x0] =	wrdreg $0xFFFFFFFF;
	(pc) =	sbr.abs _section_cstart, $3  }
0xc6: {  	[dreg:$0x1] =	wrdreg $0xFFFFFFFF  }
0xc7: {  	_ =	task.clear_ibuf [dreg:s7], $0x2FFFF;
	_ =	strace $0x9FFFFFFF  }
0xc8: {  	(tm) =	ssettm $0x7FFFFFFF  }
0xc9: {  	_ =	shalt  }
tec
execute0_lowered:
.L_overlay_start_1:
0x0: {  	(tag) =	ssettag $0x1  }
0x1: {  	s1 =	rddreg [dreg:$0x0]  }
0x2: {  	s10 =	rddreg [dreg:$0x1];
	s2 =	simm.s32 $0x0  }
0x3: {  	[smem:$0x7FF] =	sst s2  }
0x4: {  	s0 =	rddreg [dreg:$0x2];
	v0 =	vimm.f32 $3.125002980e-02;
	_ =	strace $0x8000004A  }
0x5: {  	(erf) = vrcp.f32 v0;
	_ =	sdelay $0x2  }
0x6: {  	s4 =	srdreg.scid;
	s12 =	simm.s32 $0x1;
	s13 =	simm.s32 $0x1AB80  }
0x7: {  	s14 =	simm.s32 $0x1AD80;
	s15 =	simm.s32 $0x1AF80;
	s16 =	simm.s32 $0x0  }
0x8: {  	s3 =	sadd.s32 $0x90A00, s10;
	s8 =	sand.u32 $0x1, s4;
	s5 =	sadd.s32 $0xA0A00, s10  }
0x9: {  	s6 =	sadd.s32 $0x98A00, s10;
	s4 =	stileid.u32;
	s9 =	ssub.s32 $0x2, s8  }
0xa: {  	s31 =	sshll.u32 s4, $0xB;
	s8 =	sshll.u32 s8, $0xA;
	s11 =	sshrl.u32 s9, $0x1  }
0xb: {  	s7 =	sadd.s32 $0xA00, s10;
	s8 =	sor.u32 s8, s31;
	s11 =	ssub.s32 s9, s11  }
0xc: {  	s9 =	sadd.s32 $0x8A00, s10;
	s10 =	sadd.s32 $0x10A00, s10;
	s11 =	smax.u32 s11, $0x1;
	v0 =	vpop (erf)  }
.LBB2_1:
0xd: {  	[tilespmem:s2], [sflag:$0x1] =	stream.linear.gather [hbm4b:s1+s2], $0x1A580, $0x38;
	[tilespmem:$0x1B180] =	vst v63  }
0xe: {  	_ =	swait.ge [sflag:s12], $0x1A580  }
0xf: {  	[sflag:s12] =	ssyncset.done $0x0  }
0x10: {  	s17 =	simm.s32 $0x0;
	[sflag:s12] =	ssyncadd.s32 $0xFFFE5A80  }
.LBB2_2:
0x11: {  	s18 =	sshll.u32 s17, $0x6  }
0x12: {  	s18 =	sadd.s32 s8, s18  }
0x13: {  	s19 =	simm.s32 $0x0;
	s20 =	simm.s32 $0x1A580;
	s21 =	sadd.s32 s3, s18  }
0x14: {  	[tilespmem:s20], [sflag:$0x1] =	stream.linear.gather [hbm4b:s21+s19], $0x200, $0x38;
	[tilespmem:$0x1B180] =	vst v63  }
0x15: {  	_ =	swait.ge [sflag:s12], $0x200  }
0x16: {  	[sflag:s12] =	ssyncset.done $0x0  }
0x17: {  	s22 =	sadd.s32 s5, s18;
	s21 =	simm.s32 $0x1A780;
	[sflag:s12] =	ssyncadd.s32 $0xFFFFFE00  }
0x18: {  	[tilespmem:s21], [sflag:$0x1] =	stream.linear.gather [hbm4b:s22+s19], $0x200, $0x38;
	[tilespmem:$0x1B180] =	vst v63  }
0x19: {  	_ =	swait.ge [sflag:s12], $0x200  }
0x1a: {  	[sflag:s12] =	ssyncset.done $0x0  }
0x1b: {  	s23 =	sadd.s32 s6, s18;
	s22 =	simm.s32 $0x1A980;
	[sflag:s12] =	ssyncadd.s32 $0xFFFFFE00  }
0x1c: {  	[tilespmem:s22], [sflag:$0x1] =	stream.linear.gather [hbm4b:s23+s19], $0x200, $0x38;
	[tilespmem:$0x1B180] =	vst v63  }
0x1d: {  	_ =	swait.ge [sflag:s12], $0x200  }
0x1e: {  	[sflag:s12] =	ssyncset.done $0x0  }
0x1f: {  	[sflag:s12] =	ssyncadd.s32 $0xFFFFFE00  }
0x20: {  	v2 =	vld [tilespmem:s20+$0x0]  }
0x21: {  	v1 =	vld [tilespmem:s22+$0x0]  }
0x22: {  	v3 =	vld [tilespmem:s21+$0x0];
	_ =	sdelay $0x3  }
0x23: {  	v4 =	vmul.f32 v2, v0;
	v5 =	vmul.f32 v1, v0  }
0x24: {  	v8 =	vmul.f32 v3, v0  }
0x25: {  	v6 =	vtrunc.f32 v4;
	v7 =	vtrunc.f32 v5  }
0x26: {  	v9 =	vtrunc.f32 v8;
	v6 =	vcvt.f32.s32 v6  }
0x27: {  	v7 =	vcvt.f32.s32 v7;
	v9 =	vcvt.f32.s32 v9;
	_ =	sdelay $0x1  }
0x28: {  	vm0 =	vgt.s32 v6, $0x0;
	vm14 =	vgt.s32 v7, $0x0;
	vm15 =	vgt.s32 v9, $0x0  }
0x29: {  	v6 =	vnsel vm0, $0x0, v6;
	v7 =	vnsel vm14, $0x0, v7;
	v9 =	vnsel vm15, $0x0, v9  }
0x2a: {  	v6 =	vmin.u32 v6, $0x1F;
	v7 =	vmin.u32 v7, $0x1F;
	v9 =	vmin.u32 v9, $0x1F  }
0x2b: {  	v10 =	vcvt.s32.f32 v6;
	v11 =	vmul.u32 $0x441, v6;
	v12 =	vcvt.s32.f32 v7  }
0x2c: {  	v13 =	vmul.u32 $0x21, v7;
	v17 =	vcvt.s32.f32 v9;
	v7 =	vmul.u32 $0x441, v7  }
0x2d: {  	v18 =	vmul.u32 $0x441, v9;
	v19 =	vmul.u32 $0x21, v9;
	v22 =	vadd.s32 $0x1, v6  }
0x2e: {  	v30 =	vadd.s32 $0x1, v9;
	v14 =	vadd.s32 $0x118C2, v11;
	v11 =	vadd.s32 $0x11D03, v11  }
0x2f: {  	v16 =	vadd.s32 $0x21, v13;
	v5 =	vsub.f32 v5, v12;
	v20 =	vadd.s32 v19, v7  }
0x30: {  	v8 =	vsub.f32 v8, v17;
	v21 =	vadd.s32 $0x8C61, v18;
	v23 =	vadd.s32 v22, v20  }
0x31: {  	v24 =	vadd.s32 $0x21, v19;
	v15 =	vadd.s32 v14, v13;
	v20 =	vadd.s32 v6, v20  }
0x32: {  	v18 =	vadd.s32 $0x90A2, v18;
	v26 =	vadd.s32 v24, v7;
	v12 =	vadd.s32 v9, v15  }
0x33: {  	v4 =	vsub.f32 v4, v10;
	v27 =	vadd.s32 v13, v21;
	v29 =	vadd.s32 v6, v26  }
0x34: {  	v14 =	vadd.s32 v14, v16;
	v28 =	vadd.s32 v13, v11;
	v32 =	vadd.s32 v6, v27  }
0x35: {  	v13 =	vadd.s32 v13, v18;
	v7 =	vadd.s32 $0x441, v7;
	v27 =	vadd.s32 v22, v27;
	v23 =	vld.idx.msk [tilespmem:v23+s2+$0x0], $0xffff  }
0x36: {  	v21 =	vadd.s32 v21, v16;
	v34 =	vadd.s32 v6, v13;
	v10 =	vadd.s32 v22, v13;
	v13 =	vld.idx.msk [tilespmem:v20+s2+$0x0], $0xffff  }
0x37: {  	v11 =	vadd.s32 v11, v16;
	v33 =	vadd.s32 v9, v28;
	v28 =	vadd.s32 v30, v28;
	v12 =	vld.idx.msk [tilespmem:v12+s2+$0x0], $0xffff  }
0x38: {  	v16 =	vadd.s32 v16, v18;
	v17 =	vsub.f32 $1.000000000e+00, v5;
	v26 =	vadd.s32 v22, v26;
	v29 =	vld.idx.msk [tilespmem:v29+s2+$0x0], $0xffff  }
0x39: {  	v25 =	vsub.f32 $1.000000000e+00, v8;
	v15 =	vadd.s32 v30, v15;
	v50 =	vadd.s32 v9, v14;
	v51 =	vld.idx.msk [tilespmem:v32+s2+$0x0], $0xffff  }
0x3a: {  	v14 =	vadd.s32 v30, v14;
	v19 =	vadd.s32 v19, v7;
	v7 =	vadd.s32 v24, v7;
	v27 =	vld.idx.msk [tilespmem:v27+s2+$0x0], $0xffff  }
0x3b: {  	v35 =	vsub.f32 $1.000000000e+00, v4;
	v36 =	vadd.s32 v6, v7;
	v38 =	vadd.s32 v22, v7;
	v7 =	vld.idx.msk [tilespmem:v34+s2+$0x0], $0xffff  }
0x3c: {  	v9 =	vadd.s32 v9, v11;
	v31 =	vmul.f32 v17, v25;
	v25 =	vmul.f32 v5, v25;
	v28 =	vld.idx.msk [tilespmem:v28+s2+$0x0], $0xffff  }
0x3d: {  	v52 =	vadd.s32 v6, v19;
	v17 =	vmul.f32 v17, v8;
	v5 =	vmul.f32 v5, v8;
	v26 =	vld.idx.msk [tilespmem:v26+s2+$0x0], $0xffff  }
0x3e: {  	v19 =	vadd.s32 v22, v19;
	v37 =	vmul.f32 v31, v35;
	v53 =	vmul.f32 v25, v4;
	v54 =	vld.idx.msk [tilespmem:v33+s2+$0x0], $0xffff  }
0x3f: {  	v11 =	vadd.s32 v30, v11;
	v31 =	vmul.f32 v31, v4;
	v56 =	vmul.f32 v17, v35;
	v15 =	vld.idx.msk [tilespmem:v15+s2+$0x0], $0xffff  }
0x40: {  	v55 =	vadd.s32 v6, v21;
	v17 =	vmul.f32 v17, v4;
	v4 =	vmul.f32 v5, v4;
	v20 =	vld.idx.msk [tilespmem:v50+s2+$0x0], $0xffff  }
0x41: {  	v21 =	vadd.s32 v22, v21;
	v5 =	vmul.f32 v5, v35;
	v10 =	vld.idx.msk [tilespmem:v10+s2+$0x0], $0xffff;
	v13 =	vmul.f32 v37, v13  }
0x42: {  	v6 =	vadd.s32 v6, v16;
	v14 =	vld.idx.msk [tilespmem:v14+s2+$0x0], $0xffff;
	v18 =	vmul.f32 v31, v23;
	v12 =	vmul.f32 v37, v12  }
0x43: {  	v19 =	vld.idx.msk [tilespmem:v19+s2+$0x0], $0xffff;
	v24 =	vmul.f32 v37, v51;
	v58 =	vmul.f32 v56, v29;
	v13 =	vadd.f32 $0.0e+00, v13  }
0x44: {  	v57 =	vld.idx.msk [tilespmem:v52+s2+$0x0], $0xffff;
	v26 =	vmul.f32 v26, v17;
	v27 =	vmul.f32 v31, v27;
	v8 =	vadd.f32 $0.0e+00, v12  }
0x45: {  	v59 =	vmul.f32 v31, v54;
	v24 =	vadd.f32 $0.0e+00, v24;
	v13 =	vadd.f32 v13, v18;
	v18 =	vld.idx.msk [tilespmem:v36+s2+$0x0], $0xffff  }
0x46: {  	v16 =	vadd.s32 v22, v16;
	v61 =	vld.idx.msk [tilespmem:v55+s2+$0x0], $0xffff;
	v15 =	vmul.f32 v15, v56;
	v60 =	vmul.f32 v28, v17  }
0x47: {  	v62 =	vld.idx.msk [tilespmem:v9+s2+$0x0], $0xffff;
	v7 =	vmul.f32 v56, v7;
	v9 =	vadd.f32 v24, v27;
	v8 =	vadd.f32 v8, v59  }
0x48: {  	v21 =	vld.idx.msk [tilespmem:v21+s2+$0x0], $0xffff;
	v10 =	vmul.f32 v10, v17;
	v12 =	vmul.f32 v25, v35;
	v13 =	vadd.f32 v13, v58  }
0x49: {  	v17 =	vmul.f32 v19, v53;
	v24 =	vadd.f32 v9, v7;
	v15 =	vadd.f32 v8, v15  }
0x4a: {  	v63 =	vmul.f32 v57, v12;
	v13 =	vadd.f32 v13, v26;
	v7 =	vmul.f32 v18, v5  }
0x4b: {  	v8 =	vld.idx.msk [tilespmem:v6+s2+$0x0], $0xffff;
	v18 =	vadd.f32 v24, v10;
	v19 =	vadd.f32 v60, v15;
	v15 =	vmul.f32 v61, v12  }
0x4c: {  	v20 =	vmul.f32 v20, v12;
	v9 =	vld.idx.msk [tilespmem:v38+s2+$0x0], $0xffff;
	v13 =	vadd.f32 v63, v13  }
0x4d: {  	v6 =	vmul.f32 v14, v5;
	v10 =	vld.idx.msk [tilespmem:v16+s2+$0x0], $0xffff;
	v16 =	vmul.f32 v21, v53;
	v15 =	vadd.f32 v15, v18  }
0x4e: {  	s24 =	simm.s32 $0x10;
	s25 =	simm.s32 $0x1AB90;
	s23 =	simm.s32 $0x1AB80;
	v11 =	vld.idx.msk [tilespmem:v11+s2+$0x0], $0xffff;
	v14 =	vadd.f32 v20, v19;
	v12 =	vadd.f32 v17, v13;
	v13 =	vmul.f32 v62, v53  }
.LBB2_3:
0x4f: {  	s20 =	sadd.s32 $0x10, s20;
	s21 =	sadd.s32 $0x10, s21;
	s22 =	sadd.s32 $0x10, s22  }
0x50: {  	p0 =	sne.s32 s24, $0x1F0;
	v5 =	vmul.f32 v8, v5;
	s26 =	smov.u32 s24;
	s24 =	sadd.s32 $0x10, s24;
	v15 =	vadd.f32 v16, v15;
	v13 =	vadd.f32 v13, v14  }
0x51: {  	v7 =	vadd.f32 v7, v12;
	v8 =	vmul.f32 v9, v4  }
0x52: {  	v9 =	vmul.f32 v10, v4;
	v5 =	vadd.f32 v5, v15;
	v6 =	vadd.f32 v6, v13  }
0x53: {  	v7 =	vadd.f32 v8, v7;
	v4 =	vmul.f32 v11, v4  }
0x54: {  	v5 =	vadd.f32 v9, v5  }
0x55: {  	v4 =	vadd.f32 v4, v6;
	v2 =	vadd.f32 v7, v2  }
0x56: {  	v3 =	vadd.f32 v5, v3  }
0x57: {  	s28 =	sand.u32 $0x1F0, s19;
	s19 =	smov.u32 s26;
	v1 =	vadd.f32 v4, v1;
	[tilespmem:s23+$0x0] =	vst v2;
	s23 =	smov.u32 s25  }
0x58: {  	[tilespmem:s28+$0x1AD80] =	vst v3  }
0x59: {  	[tilespmem:s28+$0x1AF80] =	vst v1  }
0x5a: {  	v2 =	vld [tilespmem:s20+$0x0]  }
0x5b: {  	v1 =	vld [tilespmem:s22+$0x0];
	_ =	sdelay $0x2  }
0x5c: {  	v3 =	vld [tilespmem:s21+$0x0]  }
0x5d: {  	v4 =	vmul.f32 v2, v0  }
0x5e: {  	v5 =	vmul.f32 v1, v0  }
0x5f: {  	v6 =	vtrunc.f32 v4  }
0x60: {  	v6 =	vcvt.f32.s32 v6;
	v7 =	vtrunc.f32 v5  }
0x61: {  	v8 =	vmul.f32 v3, v0;
	v7 =	vcvt.f32.s32 v7  }
0x62: {  	vm0 =	vgt.s32 v6, $0x0  }
0x63: {  	v6 =	vnsel vm0, $0x0, v6;
	v9 =	vtrunc.f32 v8;
	vm0 =	vgt.s32 v7, $0x0  }
0x64: {  	v6 =	vmin.u32 v6, $0x1F;
	v9 =	vcvt.f32.s32 v9;
	v7 =	vnsel vm0, $0x0, v7  }
0x65: {  	v7 =	vmin.u32 v7, $0x1F;
	v10 =	vcvt.s32.f32 v6;
	v11 =	vmul.u32 $0x441, v6  }
0x66: {  	vm0 =	vgt.s32 v9, $0x0;
	v12 =	vcvt.s32.f32 v7;
	v13 =	vmul.u32 $0x21, v7  }
0x67: {  	v9 =	vnsel vm0, $0x0, v9;
	v14 =	vadd.s32 $0x118C2, v11;
	v11 =	vadd.s32 $0x11D03, v11  }
0x68: {  	v9 =	vmin.u32 v9, $0x1F;
	v15 =	vadd.s32 v14, v13;
	v16 =	vadd.s32 $0x21, v13  }
0x69: {  	v5 =	vsub.f32 v5, v12;
	v17 =	vcvt.s32.f32 v9;
	v12 =	vadd.s32 v9, v15  }
0x6a: {  	v7 =	vmul.u32 $0x441, v7;
	v18 =	vmul.u32 $0x441, v9;
	v19 =	vmul.u32 $0x21, v9  }
0x6b: {  	v14 =	vadd.s32 v14, v16;
	v8 =	vsub.f32 v8, v17;
	v17 =	vsub.f32 $1.000000000e+00, v5  }
0x6c: {  	v20 =	vadd.s32 v19, v7;
	v21 =	vadd.s32 $0x8C61, v18;
	v18 =	vadd.s32 $0x90A2, v18  }
0x6d: {  	v24 =	vadd.s32 $0x1, v6;
	v22 =	vadd.s32 v6, v20;
	v23 =	vadd.s32 v13, v21  }
0x6e: {  	v26 =	vadd.s32 $0x21, v19;
	v20 =	vadd.s32 v24, v20;
	v25 =	vsub.f32 $1.000000000e+00, v8  }
0x6f: {  	v27 =	vadd.s32 v13, v11;
	v28 =	vadd.s32 $0x1, v9;
	v29 =	vadd.s32 v26, v7  }
0x70: {  	v31 =	vadd.s32 v9, v27;
	v32 =	vadd.s32 v6, v29;
	v30 =	vmul.f32 v17, v25  }
0x71: {  	v15 =	vadd.s32 v28, v15;
	v27 =	vadd.s32 v28, v27;
	v33 =	vadd.s32 v6, v23;
	v12 =	vld.idx.msk [tilespmem:v12+s2+$0x0], $0xffff  }
0x72: {  	v13 =	vadd.s32 v13, v18;
	v23 =	vadd.s32 v24, v23;
	v29 =	vadd.s32 v24, v29  }
0x73: {  	v4 =	vsub.f32 v4, v10;
	v10 =	vld.idx.msk [tilespmem:v20+s2+$0x0], $0xffff;
	v20 =	vadd.s32 v6, v13;
	v13 =	vadd.s32 v24, v13  }
0x74: {  	v34 =	vadd.s32 v9, v14;
	v14 =	vadd.s32 v28, v14;
	v7 =	vadd.s32 $0x441, v7;
	v22 =	vld.idx.msk [tilespmem:v22+s2+$0x0], $0xffff  }
0x75: {  	v35 =	vsub.f32 $1.000000000e+00, v4;
	v19 =	vadd.s32 v19, v7;
	v7 =	vadd.s32 v26, v7;
	v32 =	vld.idx.msk [tilespmem:v32+s2+$0x0], $0xffff  }
0x76: {  	v36 =	vadd.s32 v6, v7;
	v26 =	vld.idx.msk [tilespmem:v33+s2+$0x0], $0xffff;
	v33 =	vadd.s32 v6, v19;
	v19 =	vadd.s32 v24, v19  }
0x77: {  	v38 =	vadd.s32 v24, v7;
	v25 =	vmul.f32 v5, v25;
	v37 =	vmul.f32 v30, v35;
	v23 =	vld.idx.msk [tilespmem:v23+s2+$0x0], $0xffff  }
0x78: {  	v11 =	vadd.s32 v11, v16;
	v7 =	vmul.f32 v17, v8;
	v17 =	vld.idx.msk [tilespmem:v20+s2+$0x0], $0xffff;
	v20 =	vadd.s32 v21, v16  }
0x79: {  	v9 =	vadd.s32 v9, v11;
	v12 =	vmul.f32 v37, v12;
	v21 =	vld.idx.msk [tilespmem:v27+s2+$0x0], $0xffff;
	v27 =	vmul.f32 v25, v4  }
0x7a: {  	v11 =	vadd.s32 v28, v11;
	v30 =	vmul.f32 v30, v4;
	v22 =	vmul.f32 v37, v22;
	v29 =	vld.idx.msk [tilespmem:v29+s2+$0x0], $0xffff  }
0x7b: {  	v16 =	vadd.s32 v16, v18;
	v28 =	vld.idx.msk [tilespmem:v31+s2+$0x0], $0xffff;
	v31 =	vadd.s32 v6, v20;
	v20 =	vadd.s32 v24, v20  }
0x7c: {  	v10 =	vmul.f32 v30, v10;
	v18 =	vadd.f32 $0.0e+00, v22;
	v6 =	vadd.s32 v6, v16;
	v15 =	vld.idx.msk [tilespmem:v15+s2+$0x0], $0xffff  }
0x7d: {  	v12 =	vadd.f32 $0.0e+00, v12;
	v22 =	vmul.f32 v7, v35;
	v16 =	vadd.s32 v24, v16;
	v19 =	vld.idx.msk [tilespmem:v19+s2+$0x0], $0xffff  }
0x7e: {  	v5 =	vmul.f32 v5, v8;
	v7 =	vmul.f32 v7, v4;
	v10 =	vadd.f32 v18, v10;
	v18 =	vld.idx.msk [tilespmem:v34+s2+$0x0], $0xffff  }
0x7f: {  	v24 =	vmul.f32 v25, v35;
	v8 =	vld.idx.msk [tilespmem:v33+s2+$0x0], $0xffff  }
0x80: {  	v25 =	vmul.f32 v37, v26;
	v26 =	vmul.f32 v22, v32;
	v13 =	vld.idx.msk [tilespmem:v13+s2+$0x0], $0xffff  }
0x81: {  	v4 =	vmul.f32 v5, v4;
	v29 =	vmul.f32 v29, v7;
	v14 =	vld.idx.msk [tilespmem:v14+s2+$0x0], $0xffff  }
0x82: {  	v21 =	vmul.f32 v21, v7;
	v10 =	vadd.f32 v10, v26;
	v15 =	vmul.f32 v15, v22;
	v26 =	vld.idx.msk [tilespmem:v36+s2+$0x0], $0xffff  }
0x83: {  	v23 =	vmul.f32 v30, v23;
	v25 =	vadd.f32 $0.0e+00, v25;
	v28 =	vmul.f32 v30, v28;
	v30 =	vld.idx.msk [tilespmem:v31+s2+$0x0], $0xffff  }
0x84: {  	v5 =	vmul.f32 v5, v35;
	v10 =	vadd.f32 v10, v29;
	v18 =	vmul.f32 v18, v24;
	v29 =	vld.idx.msk [tilespmem:v9+s2+$0x0], $0xffff  }
0x85: {  	v17 =	vmul.f32 v22, v17;
	v12 =	vadd.f32 v12, v28;
	v9 =	vadd.f32 v25, v23;
	v20 =	vld.idx.msk [tilespmem:v20+s2+$0x0], $0xffff  }
0x86: {  	v19 =	vmul.f32 v19, v27;
	v22 =	vmul.f32 v8, v24  }
.Ltmp0:
0x87: {  	v12 =	vadd.f32 v12, v15;
	v13 =	vmul.f32 v13, v7;
	v17 =	vadd.f32 v9, v17;
	v8 =	vld.idx.msk [tilespmem:v6+s2+$0x0], $0xffff;
	(pc) =	sbr.rel @p0 .LBB2_3-.Ltmp0, $4  }
0x88: {  	v15 =	vadd.f32 v22, v10;
	v7 =	vmul.f32 v26, v5;
	v6 =	vmul.f32 v14, v5;
	v9 =	vld.idx.msk [tilespmem:v38+s2+$0x0], $0xffff  }
0x89: {  	v14 =	vadd.f32 v17, v13;
	v17 =	vadd.f32 v21, v12;
	v21 =	vmul.f32 v30, v24;
	v10 =	vld.idx.msk [tilespmem:v16+s2+$0x0], $0xffff  }
0x8a: {  	v12 =	vadd.f32 v19, v15;
	v13 =	vmul.f32 v29, v27;
	v11 =	vld.idx.msk [tilespmem:v11+s2+$0x0], $0xffff  }
0x8b: {  	s25 =	sadd.s32 $0x10, s25;
	v15 =	vadd.f32 v21, v14;
	v14 =	vadd.f32 v18, v17;
	v16 =	vmul.f32 v20, v27  }
0x8c: {  	_ = 	snop  }
0x8d: {  	v5 =	vmul.f32 v8, v5;
	v15 =	vadd.f32 v16, v15  }
0x8e: {  	v7 =	vadd.f32 v7, v12;
	v62 =	vadd.f32 v13, v14;
	v9 =	vmul.f32 v9, v4  }
0x8f: {  	v10 =	vmul.f32 v10, v4;
	v5 =	vadd.f32 v5, v15  }
0x90: {  	v6 =	vadd.f32 v6, v62;
	v7 =	vadd.f32 v9, v7;
	v63 =	vmul.f32 v11, v4  }
0x91: {  	v5 =	vadd.f32 v10, v5  }
0x92: {  	v4 =	vadd.f32 v63, v6;
	v2 =	vadd.f32 v7, v2  }
0x93: {  	v3 =	vadd.f32 v5, v3  }
0x94: {  	s19 =	sand.u32 $0x1F0, s19;
	[tilespmem:s23+$0x0] =	vst v2;
	v1 =	vadd.f32 v4, v1  }
0x95: {  	[tilespmem:s19+$0x1AD80] =	vst v3  }
0x96: {  	s29 =	sadd.s32 s7, s18;
	[tilespmem:s19+$0x1AF80] =	vst v1  }
0x97: {  	[hbm4b:s29+s2] =	stream.linear.scatter [tilespmem:s13], [sflag:$0x1], $0x200, $0x38;
	[tilespmem:$0x1B180] =	vst v63  }
0x98: {  	_ =	swait.ge [sflag:s12], $0x200  }
0x99: {  	[sflag:s12] =	ssyncset.done $0x0  }
0x9a: {  	s30 =	sadd.s32 s18, s9;
	[sflag:s12] =	ssyncadd.s32 $0xFFFFFE00  }
0x9b: {  	[hbm4b:s30+s2] =	stream.linear.scatter [tilespmem:s14], [sflag:$0x1], $0x200, $0x38;
	[tilespmem:$0x1B180] =	vst v63  }
0x9c: {  	s17 =	sadd.s32 $0x1, s17;
	_ =	swait.ge [sflag:s12], $0x200  }
0x9d: {  	p0 =	sne.s32 s17, $0x10;
	[sflag:s12] =	ssyncset.done $0x0  }
.Ltmp1:
0x9e: {  	s31 =	sadd.s32 s18, s10;
	[sflag:s12] =	ssyncadd.s32 $0xFFFFFE00;
	(pc) =	sbr.rel @p0 .LBB2_2-.Ltmp1, $4  }
0x9f: {  	[hbm4b:s31+s2] =	stream.linear.scatter [tilespmem:s15], [sflag:$0x1], $0x200, $0x38;
	[tilespmem:$0x1B180] =	vst v63  }
0xa0: {  	_ =	swait.ge [sflag:s12], $0x200  }
0xa1: {  	[sflag:s12] =	ssyncset.done $0x0  }
0xa2: {  	[sflag:s12] =	ssyncadd.s32 $0xFFFFFE00  }
0xa3: {  	s16 =	sadd.s32 $0x1, s16  }
0xa4: {  	p0 =	sne.s32 s16, s11  }
.Ltmp2:
0xa5: {  	_ = 	snop;
	(pc) =	sbr.rel @p0 .LBB2_1-.Ltmp2, $1  }
0xa6: {  	_ =	sdelay $0x3  }
0xa7: {  	_ =	sfence.sel $0x180000  }
0xa8: {  	[bflag:$0x0] =	sbarrier.arrive $0xFFFF  }
0xa9: {  	p0 =	sne.s32 s4, $0x0;
	_ =	strace $0x9000004A  }
0xaa: {  	s0 =	sadd.s32 @!p0 $0x100000, s0;
	[bflag:$0x2] =	sbarrier.arrive $0xFFFF  }
0xab: {  	[sflag:s0] =	ssyncadd.tile.s32 @!p0 $0x1;
	_ =	shalt  }
.Lfunc_end2:
_tile_overlayer_lowered:
.L_overlay_start_2:
0xac: {  	(tag) =	ssettag $0x2  }
0xad: {  	s0 =	rddreg [dreg:$0x0];
	s2 =	stileid.u32  }
0xae: {  	s1 =	rddreg [dreg:$0x1];
	p0 =	sne.s32 s2, $0x0  }
0xaf: {  	s3 =	rddreg [dreg:$0x2];
	[bflag:$0x3] =	sbarrier.arrive $0xFFFF;
	s2 =	simm.s32 @!p0 $0x1C01  }
0xb0: {  	[timem:s3], [sflag:s2] =	dma.local @!p0 [hbm:s0], s1  }
0xb1: {  	s0 =	simm.s32 @!p0 $0x1  }
0xb2: {  	_ =	swait.ge @!p0 [sflag:s0], s1  }
0xb3: {  	s1 =	ssub.s32 @!p0 $0x0, s1;
	[sflag:s0] =	ssyncset.done @!p0 $0x0  }
0xb4: {  	[sflag:s0] =	ssyncadd.s32 @!p0 s1  }
0xb5: {  	[bflag:$0x3] =	sbarrier.arrive $0xFFFF  }
0xb6: {  	_ =	shalt  }

</sc_bundles>
